<compile_context>
chip_gen: v7x
topology: tpu7x:2x2x1
jax: 0.10.2.dev20260603
libtpu: 0.0.44.dev20260713+nightly
codegen_flags: <defaults>
</compile_context>

<pallas_src>
import functools

import jax
import jax.numpy as jnp
from jax import lax
from jax.experimental import pallas as pl
from jax.experimental.pallas import tpu as pltpu
from jax.experimental.pallas import tpu_sc as plsc

_SCALING = 2.0

_NC = 2
_NS = 16
_NW = _NC * _NS

_CHUNK = 128
_MERGE_BLK = 4096
_NBUF = 5
_LOOK = 3


def _merge_body(wt_ref, a_ref, k_ref, out_ref):
    x = jnp.concatenate([wt_ref[...], a_ref[...]], axis=0)
    merged = lax.dot_general(
        x, k_ref[...],
        dimension_numbers=(((0,), (0,)), ((), ())),
        preferred_element_type=jnp.float32,
    )
    half = merged.shape[0] // 2
    out_ref[:, : merged.shape[1]] = merged[:half].astype(jnp.bfloat16)
    out_ref[:, merged.shape[1]:] = merged[half:].astype(jnp.bfloat16)


def _build_merged(weightT, lora_A, lora_BT):
    D, V = weightT.shape
    R = lora_A.shape[0]
    BLK = _MERGE_BLK
    nblk = pl.cdiv(V, BLK)
    v2 = nblk * BLK
    kmat = jnp.concatenate(
        [jnp.eye(D, dtype=jnp.float32), _SCALING * lora_BT], axis=0)
    merged2 = pl.pallas_call(
        _merge_body,
        grid=(nblk,),
        in_specs=[
            pl.BlockSpec((D, BLK), lambda i: (0, i)),
            pl.BlockSpec((R, BLK), lambda i: (0, i)),
            pl.BlockSpec((D + R, D), lambda i: (0, 0)),
        ],
        out_specs=pl.BlockSpec((BLK // 2, 2 * D), lambda i: (i, 0)),
        out_shape=jax.ShapeDtypeStruct((v2 // 2, 2 * D), jnp.bfloat16),
    )(weightT, lora_A, kmat)
    return merged2.reshape(v2, D)


def _scramble(ids, blk):
    half = blk // 2
    i, r = ids // blk, ids % blk
    return i * blk + 2 * (r % half) + r // half


def _gather_scatter(merged, idxT):
    _, D = merged.shape
    n_chunks, batch = idxT.shape
    chunk = batch // _NW
    mesh = plsc.VectorSubcoreMesh(core_axis_name="c", subcore_axis_name="s")

    @functools.partial(
        pl.kernel,
        mesh=mesh,
        out_type=jax.ShapeDtypeStruct((n_chunks // 2, batch, 2, D),
                                      jnp.bfloat16),
        compiler_params=pltpu.CompilerParams(use_tc_tiling_on_sc=False),
        scratch_types=(
            [pltpu.VMEM((n_chunks, chunk), jnp.int32)]
            + [pltpu.VMEM((chunk, D), jnp.bfloat16)] * _NBUF
            + [pltpu.SemaphoreType.DMA] * (2 * _NBUF)
        ),
    )
    def k(table_hbm, idx_hbm, out_hbm, idx_v, *bufs_sems):
        rows = bufs_sems[:_NBUF]
        gsem = bufs_sems[_NBUF:2 * _NBUF]
        ssem = bufs_sems[2 * _NBUF:]
        wid = lax.axis_index("s") * _NC + lax.axis_index("c")
        b0 = wid * chunk
        pltpu.sync_copy(idx_hbm.at[:, pl.ds(b0, chunk)], idx_v)

        def gath(g, b):
            pltpu.async_copy(table_hbm.at[idx_v.at[g]], rows[b], gsem[b])

        def scat(g, b):
            pltpu.async_copy(
                rows[b], out_hbm.at[g // 2, pl.ds(b0, chunk), g % 2], ssem[b])

        def wait_gath(g, b):
            pltpu.make_async_copy(
                table_hbm.at[idx_v.at[g]], rows[b], gsem[b]).wait()

        def wait_scat(g, b):
            pltpu.make_async_copy(
                rows[b], out_hbm.at[g // 2, pl.ds(b0, chunk), g % 2],
                ssem[b]).wait()

        for b in range(_LOOK):
            gath(b, b)

        def body(h, _):
            g0 = h * _NBUF
            for b in range(_NBUF):
                g = g0 + b
                wait_gath(g, b)
                scat(g, b)

                @pl.when(g >= 2)
                def _(g=g, b=b):
                    wait_scat(g - 2, (b - 2) % _NBUF)

                @pl.when(g + _LOOK < n_chunks)
                def _(g=g, b=b):
                    gath(g + _LOOK, (b + _LOOK) % _NBUF)

            return ()

        lax.fori_loop(0, n_chunks // _NBUF, body, (), unroll=False)
        wait_scat(n_chunks - 2, (n_chunks - 2) % _NBUF)
        wait_scat(n_chunks - 1, (n_chunks - 1) % _NBUF)

    return k(merged, idxT)


def _transpose_body(in_ref, out_ref):
    x = in_ref[...].astype(jnp.float32)
    out_ref[...] = x.T.reshape(out_ref.shape)


def _to_output_layout(f3v, batch, seq, d):
    outT = pl.pallas_call(
        _transpose_body,
        grid=(seq // 2,),
        in_specs=[pl.BlockSpec((batch, 2 * d), lambda i: (i, 0))],
        out_specs=pl.BlockSpec((2, d, batch), lambda i: (i, 0, 0)),
        out_shape=jax.ShapeDtypeStruct((seq, d, batch), jnp.float32),
    )(f3v)
    return jnp.transpose(outT, (2, 0, 1))


def kernel(input_ids, weight, lora_A, lora_B):
    V, D = weight.shape
    batch, seq = input_ids.shape
    merged = _build_merged(weight.T, lora_A, lora_B.T)

    B = batch * seq
    idxT = _scramble(input_ids.T.astype(jnp.int32), _MERGE_BLK)
    f3 = _gather_scatter(merged, idxT)
    f3v = f3.reshape(B // 2, 2 * D)
    return _to_output_layout(f3v, batch, seq, D)

# --- scband reference (transcript-rebuilt; emitter-appended) ---
"""Pipeline reference for scband-lo-raembedding-85598698209850 (READ-ONLY COPY).

The authoritative reference and input builder live on the scoring server;
editing this copy changes nothing except your own understanding.
"""

import jax, jax.numpy as jnp
import numpy as np

VOCAB = 100000
DIM = 64
R = 8
ALPHA = 16.0
SCALING = ALPHA / R  # use_rslora=False -> alpha / r


def setup_inputs(seed: int = 0) -> dict:
    key = jax.random.key(seed)
    k1, k2, k3, k4 = jax.random.split(key, 4)
    input_ids = jax.random.randint(k1, (4096, 50), 0, VOCAB)
    # base embedding table (learned parameter)
    weight = jax.random.normal(k2, (VOCAB, DIM), dtype=jnp.float32) * 0.02
    # LoRA factors. Torch init sets lora_B to zeros, which would zero out the
    # LoRA path; we use small nonzero values so the computation is nontrivial.
    lora_A = jax.random.normal(k3, (R, VOCAB), dtype=jnp.float32) * (1.0 / R)
    lora_B = jax.random.normal(k4, (DIM, R), dtype=jnp.float32) * 0.02
    return {"input_ids": input_ids, "weight": weight, "lora_A": lora_A, "lora_B": lora_B}


def reference(input_ids, weight, lora_A, lora_B):
    # base embedding lookup: F.embedding(input_ids, weight)
    base = jnp.take(weight, input_ids, axis=0)
    # LoRA path: materialize effective delta table (lora_B @ lora_A).T * scaling,
    # then embedding lookup with the same indices (faithful to torch forward,
    # merged=False, padding_idx=None, max_norm=None).
    lora_weight = (lora_B @ lora_A).T * SCALING  # [VOCAB, DIM]
    lora_result = jnp.take(lora_weight, input_ids, axis=0)
    return base + lora_result

if __name__ == "__main__":
    import jax
    _d = setup_inputs()
    print(jax.jit(kernel)(*tuple(_d.values())))

</pallas_src>

<mosaic_0001>
#map = affine_map<(d0, d1) -> (0, 0)>
#map1 = affine_map<(d0, d1) -> (0, 0, 0, 0)>
module attributes {stable_mosaic.version = 14 : i64} {
  func.func @k(%arg0: i32, %arg1: i32, %arg2: memref<102400x64xbf16, #tpu.memory_space<hbm>>, %arg3: memref<50x4096xi32, #tpu.memory_space<hbm>>, %arg4: memref<25x4096x2x64xbf16, #tpu.memory_space<hbm>>, %arg5: memref<50x128xi32, #tpu.memory_space<vmem>>, %arg6: memref<128x64xbf16, #tpu.memory_space<vmem>>, %arg7: memref<128x64xbf16, #tpu.memory_space<vmem>>, %arg8: memref<128x64xbf16, #tpu.memory_space<vmem>>, %arg9: memref<128x64xbf16, #tpu.memory_space<vmem>>, %arg10: memref<128x64xbf16, #tpu.memory_space<vmem>>, %arg11: memref<!tpu.dma_semaphore, #tpu.memory_space<semaphore_mem>>, %arg12: memref<!tpu.dma_semaphore, #tpu.memory_space<semaphore_mem>>, %arg13: memref<!tpu.dma_semaphore, #tpu.memory_space<semaphore_mem>>, %arg14: memref<!tpu.dma_semaphore, #tpu.memory_space<semaphore_mem>>, %arg15: memref<!tpu.dma_semaphore, #tpu.memory_space<semaphore_mem>>, %arg16: memref<!tpu.dma_semaphore, #tpu.memory_space<semaphore_mem>>, %arg17: memref<!tpu.dma_semaphore, #tpu.memory_space<semaphore_mem>>, %arg18: memref<!tpu.dma_semaphore, #tpu.memory_space<semaphore_mem>>, %arg19: memref<!tpu.dma_semaphore, #tpu.memory_space<semaphore_mem>>, %arg20: memref<!tpu.dma_semaphore, #tpu.memory_space<semaphore_mem>>) attributes {dimension_semantics = [#tpu.dimension_semantics<core_parallel>, #tpu.dimension_semantics<subcore_parallel>], iteration_bounds = array<i64: 2, 16>, scalar_prefetch = 0 : i64, scratch_operands = 16 : i64, tpu.core_type = #tpu.core_type<sc_vector_subcore>, window_params = [{transform_indices = #map}, {transform_indices = #map}, {transform_indices = #map1}]} {
    %mul3A = arith.constant 2 : i32
    %mul3A_0 = arith.muli %arg1, %mul3A : i32
    %add3A = arith.addi %mul3A_0, %arg0 : i32
    %mul3A_1 = arith.constant 128 : i32
    %mul3A_2 = arith.muli %add3A, %mul3A_1 : i32
    "tpu.region"() ({
      %run_scoped3A = tpu.sem_alloc : memref<!tpu.dma_semaphore, #tpu.memory_space<semaphore_mem>>
      %dma_start3A_42 = arith.constant 0 : i32
      %dma_start3A_43 = tpu.memref_slice %arg3[%dma_start3A_42, %mul3A_2] : memref<50x4096xi32, #tpu.memory_space<hbm>> -> memref<50x128xi32, #tpu.memory_space<hbm>>
      %dma_start3A_44 = arith.constant 0 : i32
      %dma_start3A_45 = tpu.memref_slice %arg3[%dma_start3A_44, %mul3A_2] : memref<50x4096xi32, #tpu.memory_space<hbm>> -> memref<50x128xi32, #tpu.memory_space<hbm>>
      tpu.enqueue_dma source(%dma_start3A_45 : memref<50x128xi32, #tpu.memory_space<hbm>>) target(%arg5 : memref<50x128xi32, #tpu.memory_space<vmem>>) target_semaphore(%run_scoped3A : memref<!tpu.dma_semaphore, #tpu.memory_space<semaphore_mem>>)
      %dma_wait3A_46 = arith.constant 0 : i32
      %dma_wait3A_47 = tpu.memref_slice %arg3[%dma_wait3A_46, %mul3A_2] : memref<50x4096xi32, #tpu.memory_space<hbm>> -> memref<50x128xi32, #tpu.memory_space<hbm>>
      %dma_wait3A_48 = arith.constant 0 : i32
      %dma_wait3A_49 = tpu.memref_slice %arg3[%dma_wait3A_48, %mul3A_2] : memref<50x4096xi32, #tpu.memory_space<hbm>> -> memref<50x128xi32, #tpu.memory_space<hbm>>
      tpu.wait_dma2 semaphore(%run_scoped3A : memref<!tpu.dma_semaphore, #tpu.memory_space<semaphore_mem>>) src(%dma_wait3A_49 : memref<50x128xi32, #tpu.memory_space<hbm>>) dst(%arg5 : memref<50x128xi32, #tpu.memory_space<vmem>>)
      tpu.yield
    }) : () -> ()
    %dma_start3A = arith.constant 0 : i32
    %dma_start3A_3 = arith.constant 0 : i32
    %dma_start3A_4 = tpu.memref_slice %arg5[%dma_start3A, %dma_start3A_3] : memref<50x128xi32, #tpu.memory_space<vmem>> -> memref<1x128xi32, #tpu.memory_space<vmem>>
    %dma_start3A_5 = tpu.memref_squeeze %dma_start3A_4 : memref<1x128xi32, #tpu.memory_space<vmem>> -> memref<128xi32, #tpu.memory_space<vmem>>
    %dma_start3A_6 = arith.constant 0 : i32
    %dma_start3A_7 = arith.constant 0 : i32
    %dma_start3A_8 = tpu.memref_slice %arg2[%dma_start3A_6, %dma_start3A_7] : memref<102400x64xbf16, #tpu.memory_space<hbm>> -> memref<102400x64xbf16, #tpu.memory_space<hbm>>
    tpu.enqueue_indirect_dma source(%dma_start3A_8 : memref<102400x64xbf16, #tpu.memory_space<hbm>>) target(%arg6 : memref<128x64xbf16, #tpu.memory_space<vmem>>) offsets(%dma_start3A_5 : memref<128xi32, #tpu.memory_space<vmem>>) semaphore(%arg11 : memref<!tpu.dma_semaphore, #tpu.memory_space<semaphore_mem>>)
    %dma_start3A_9 = arith.constant 1 : i32
    %dma_start3A_10 = arith.constant 0 : i32
    %dma_start3A_11 = tpu.memref_slice %arg5[%dma_start3A_9, %dma_start3A_10] : memref<50x128xi32, #tpu.memory_space<vmem>> -> memref<1x128xi32, #tpu.memory_space<vmem>>
    %dma_start3A_12 = tpu.memref_squeeze %dma_start3A_11 : memref<1x128xi32, #tpu.memory_space<vmem>> -> memref<128xi32, #tpu.memory_space<vmem>>
    %dma_start3A_13 = arith.constant 0 : i32
    %dma_start3A_14 = arith.constant 0 : i32
    %dma_start3A_15 = tpu.memref_slice %arg2[%dma_start3A_13, %dma_start3A_14] : memref<102400x64xbf16, #tpu.memory_space<hbm>> -> memref<102400x64xbf16, #tpu.memory_space<hbm>>
    tpu.enqueue_indirect_dma source(%dma_start3A_15 : memref<102400x64xbf16, #tpu.memory_space<hbm>>) target(%arg7 : memref<128x64xbf16, #tpu.memory_space<vmem>>) offsets(%dma_start3A_12 : memref<128xi32, #tpu.memory_space<vmem>>) semaphore(%arg12 : memref<!tpu.dma_semaphore, #tpu.memory_space<semaphore_mem>>)
    %dma_start3A_16 = arith.constant 2 : i32
    %dma_start3A_17 = arith.constant 0 : i32
    %dma_start3A_18 = tpu.memref_slice %arg5[%dma_start3A_16, %dma_start3A_17] : memref<50x128xi32, #tpu.memory_space<vmem>> -> memref<1x128xi32, #tpu.memory_space<vmem>>
    %dma_start3A_19 = tpu.memref_squeeze %dma_start3A_18 : memref<1x128xi32, #tpu.memory_space<vmem>> -> memref<128xi32, #tpu.memory_space<vmem>>
    %dma_start3A_20 = arith.constant 0 : i32
    %dma_start3A_21 = arith.constant 0 : i32
    %dma_start3A_22 = tpu.memref_slice %arg2[%dma_start3A_20, %dma_start3A_21] : memref<102400x64xbf16, #tpu.memory_space<hbm>> -> memref<102400x64xbf16, #tpu.memory_space<hbm>>
    tpu.enqueue_indirect_dma source(%dma_start3A_22 : memref<102400x64xbf16, #tpu.memory_space<hbm>>) target(%arg8 : memref<128x64xbf16, #tpu.memory_space<vmem>>) offsets(%dma_start3A_19 : memref<128xi32, #tpu.memory_space<vmem>>) semaphore(%arg13 : memref<!tpu.dma_semaphore, #tpu.memory_space<semaphore_mem>>)
    %scan3A = arith.constant 0 : i32
    %scan3A_23 = arith.constant 10 : i32
    %scan3A_24 = arith.addi %scan3A, %scan3A_23 : i32
    %scan3A_25 = arith.constant 1 : i32
    scf.for %scan3A_42 = %scan3A to %scan3A_24 step %scan3A_25  : i32 {
      %mul3A_43 = arith.constant 5 : i32
      %mul3A_44 = arith.muli %scan3A_42, %mul3A_43 : i32
      %add3A_45 = arith.constant 0 : i32
      %add3A_46 = arith.addi %mul3A_44, %add3A_45 : i32
      %dma_wait3A_47 = arith.constant 0 : i32
      %dma_wait3A_48 = tpu.memref_slice %arg5[%add3A_46, %dma_wait3A_47] : memref<50x128xi32, #tpu.memory_space<vmem>> -> memref<1x128xi32, #tpu.memory_space<vmem>>
      %dma_wait3A_49 = tpu.memref_squeeze %dma_wait3A_48 : memref<1x128xi32, #tpu.memory_space<vmem>> -> memref<128xi32, #tpu.memory_space<vmem>>
      %dma_wait3A_50 = arith.constant 0 : i32
      %dma_wait3A_51 = arith.constant 0 : i32
      %dma_wait3A_52 = tpu.memref_slice %arg2[%dma_wait3A_50, %dma_wait3A_51] : memref<102400x64xbf16, #tpu.memory_space<hbm>> -> memref<102400x64xbf16, #tpu.memory_space<hbm>>
      tpu.wait_indirect_dma semaphore(%arg11 : memref<!tpu.dma_semaphore, #tpu.memory_space<semaphore_mem>>) src(%dma_wait3A_52 : memref<102400x64xbf16, #tpu.memory_space<hbm>>) dst(%arg6 : memref<128x64xbf16, #tpu.memory_space<vmem>>)
      %jit3A = arith.constant 2 : i32
      %div3A = arith.divsi %add3A_46, %jit3A : i32
      %sign3A = arith.constant 0 : i32
      %sign3A_53 = arith.cmpi sgt, %add3A_46, %sign3A : i32
      %sign3A_54 = arith.extui %sign3A_53 : i1 to i32
      %sign3A_55 = arith.constant 0 : i32
      %sign3A_56 = arith.cmpi slt, %add3A_46, %sign3A_55 : i32
      %sign3A_57 = arith.extui %sign3A_56 : i1 to i32
      %sign3A_58 = arith.subi %sign3A_54, %sign3A_57 : i32
      %sign3A_59 = arith.constant 0 : i32
      %sign3A_60 = arith.cmpi sgt, %jit3A, %sign3A_59 : i32
      %sign3A_61 = arith.extui %sign3A_60 : i1 to i32
      %sign3A_62 = arith.constant 0 : i32
      %sign3A_63 = arith.cmpi slt, %jit3A, %sign3A_62 : i32
      %sign3A_64 = arith.extui %sign3A_63 : i1 to i32
      %sign3A_65 = arith.subi %sign3A_61, %sign3A_64 : i32
      %ne3A = arith.cmpi ne, %sign3A_58, %sign3A_65 : i32
      %rem3A = arith.remsi %add3A_46, %jit3A : i32
      %ne3A_66 = arith.constant 0 : i32
      %ne3A_67 = arith.cmpi ne, %rem3A, %ne3A_66 : i32
      %and3A = arith.andi %ne3A, %ne3A_67 : i1
      %sub3A = arith.constant 1 : i32
      %sub3A_68 = arith.subi %div3A, %sub3A : i32
      %select_n3A = arith.select %and3A, %sub3A_68, %div3A : i32
      %jit3A_69 = arith.constant 2 : i32
      %eq3A = arith.constant 0 : i32
      %eq3A_70 = arith.cmpi eq, %jit3A_69, %eq3A : i32
      %jit3A_71 = arith.constant 1 : i32
      %select_n3A_72 = arith.select %eq3A_70, %jit3A_71, %jit3A_69 : i32
      %rem3A_73 = arith.remsi %add3A_46, %select_n3A_72 : i32
      %ne3A_74 = arith.constant 0 : i32
      %ne3A_75 = arith.cmpi ne, %rem3A_73, %ne3A_74 : i32
      %lt3A = arith.constant 0 : i32
      %lt3A_76 = arith.cmpi slt, %rem3A_73, %lt3A : i32
      %lt3A_77 = arith.constant 0 : i32
      %lt3A_78 = arith.cmpi slt, %select_n3A_72, %lt3A_77 : i32
      %ne3A_79 = arith.xori %lt3A_76, %lt3A_78 : i1
      %and3A_80 = arith.andi %ne3A_79, %ne3A_75 : i1
      %add3A_81 = arith.addi %rem3A_73, %select_n3A_72 : i32
      %select_n3A_82 = arith.select %and3A_80, %add3A_81, %rem3A_73 : i32
      %dma_start3A_83 = arith.constant 0 : i32
      %dma_start3A_84 = tpu.memref_slice %arg4[%select_n3A, %mul3A_2, %select_n3A_82, %dma_start3A_83] : memref<25x4096x2x64xbf16, #tpu.memory_space<hbm>> -> memref<1x128x1x64xbf16, #tpu.memory_space<hbm>>
      %dma_start3A_85 = tpu.memref_squeeze %dma_start3A_84 : memref<1x128x1x64xbf16, #tpu.memory_space<hbm>> -> memref<128x64xbf16, #tpu.memory_space<hbm>>
      %dma_start3A_86 = arith.constant 0 : i32
      %dma_start3A_87 = tpu.memref_slice %arg4[%select_n3A, %mul3A_2, %select_n3A_82, %dma_start3A_86] : memref<25x4096x2x64xbf16, #tpu.memory_space<hbm>> -> memref<1x128x1x64xbf16, #tpu.memory_space<hbm>>
      %dma_start3A_88 = tpu.memref_squeeze %dma_start3A_87 : memref<1x128x1x64xbf16, #tpu.memory_space<hbm>> -> memref<128x64xbf16, #tpu.memory_space<hbm>>
      tpu.enqueue_dma source(%arg6 : memref<128x64xbf16, #tpu.memory_space<vmem>>) target(%dma_start3A_88 : memref<128x64xbf16, #tpu.memory_space<hbm>>) target_semaphore(%arg16 : memref<!tpu.dma_semaphore, #tpu.memory_space<semaphore_mem>>)
      %ge3A = arith.constant 2 : i32
      %ge3A_89 = arith.cmpi sge, %add3A_46, %ge3A : i32
      %convert_element_type3A = arith.extui %ge3A_89 : i1 to i32
      %cond3A = arith.constant 0 : i32
      %cond3A_90 = arith.cmpi ne, %convert_element_type3A, %cond3A : i32
      scf.if %cond3A_90 {
        %sub3A_362 = arith.constant 2 : i32
        %sub3A_363 = arith.subi %add3A_46, %sub3A_362 : i32
        %jit3A_364 = arith.constant 2 : i32
        %div3A_365 = arith.divsi %sub3A_363, %jit3A_364 : i32
        %sign3A_366 = arith.constant 0 : i32
        %sign3A_367 = arith.cmpi sgt, %sub3A_363, %sign3A_366 : i32
        %sign3A_368 = arith.extui %sign3A_367 : i1 to i32
        %sign3A_369 = arith.constant 0 : i32
        %sign3A_370 = arith.cmpi slt, %sub3A_363, %sign3A_369 : i32
        %sign3A_371 = arith.extui %sign3A_370 : i1 to i32
        %sign3A_372 = arith.subi %sign3A_368, %sign3A_371 : i32
        %sign3A_373 = arith.constant 0 : i32
        %sign3A_374 = arith.cmpi sgt, %jit3A_364, %sign3A_373 : i32
        %sign3A_375 = arith.extui %sign3A_374 : i1 to i32
        %sign3A_376 = arith.constant 0 : i32
        %sign3A_377 = arith.cmpi slt, %jit3A_364, %sign3A_376 : i32
        %sign3A_378 = arith.extui %sign3A_377 : i1 to i32
        %sign3A_379 = arith.subi %sign3A_375, %sign3A_378 : i32
        %ne3A_380 = arith.cmpi ne, %sign3A_372, %sign3A_379 : i32
        %rem3A_381 = arith.remsi %sub3A_363, %jit3A_364 : i32
        %ne3A_382 = arith.constant 0 : i32
        %ne3A_383 = arith.cmpi ne, %rem3A_381, %ne3A_382 : i32
        %and3A_384 = arith.andi %ne3A_380, %ne3A_383 : i1
        %sub3A_385 = arith.constant 1 : i32
        %sub3A_386 = arith.subi %div3A_365, %sub3A_385 : i32
        %select_n3A_387 = arith.select %and3A_384, %sub3A_386, %div3A_365 : i32
        %jit3A_388 = arith.constant 2 : i32
        %eq3A_389 = arith.constant 0 : i32
        %eq3A_390 = arith.cmpi eq, %jit3A_388, %eq3A_389 : i32
        %jit3A_391 = arith.constant 1 : i32
        %select_n3A_392 = arith.select %eq3A_390, %jit3A_391, %jit3A_388 : i32
        %rem3A_393 = arith.remsi %sub3A_363, %select_n3A_392 : i32
        %ne3A_394 = arith.constant 0 : i32
        %ne3A_395 = arith.cmpi ne, %rem3A_393, %ne3A_394 : i32
        %lt3A_396 = arith.constant 0 : i32
        %lt3A_397 = arith.cmpi slt, %rem3A_393, %lt3A_396 : i32
        %lt3A_398 = arith.constant 0 : i32
        %lt3A_399 = arith.cmpi slt, %select_n3A_392, %lt3A_398 : i32
        %ne3A_400 = arith.xori %lt3A_397, %lt3A_399 : i1
        %and3A_401 = arith.andi %ne3A_400, %ne3A_395 : i1
        %add3A_402 = arith.addi %rem3A_393, %select_n3A_392 : i32
        %select_n3A_403 = arith.select %and3A_401, %add3A_402, %rem3A_393 : i32
        %dma_wait3A_404 = arith.constant 0 : i32
        %dma_wait3A_405 = tpu.memref_slice %arg4[%select_n3A_387, %mul3A_2, %select_n3A_403, %dma_wait3A_404] : memref<25x4096x2x64xbf16, #tpu.memory_space<hbm>> -> memref<1x128x1x64xbf16, #tpu.memory_space<hbm>>
        %dma_wait3A_406 = tpu.memref_squeeze %dma_wait3A_405 : memref<1x128x1x64xbf16, #tpu.memory_space<hbm>> -> memref<128x64xbf16, #tpu.memory_space<hbm>>
        %dma_wait3A_407 = arith.constant 0 : i32
        %dma_wait3A_408 = tpu.memref_slice %arg4[%select_n3A_387, %mul3A_2, %select_n3A_403, %dma_wait3A_407] : memref<25x4096x2x64xbf16, #tpu.memory_space<hbm>> -> memref<1x128x1x64xbf16, #tpu.memory_space<hbm>>
        %dma_wait3A_409 = tpu.memref_squeeze %dma_wait3A_408 : memref<1x128x1x64xbf16, #tpu.memory_space<hbm>> -> memref<128x64xbf16, #tpu.memory_space<hbm>>
        tpu.wait_dma2 semaphore(%arg19 : memref<!tpu.dma_semaphore, #tpu.memory_space<semaphore_mem>>) src(%arg9 : memref<128x64xbf16, #tpu.memory_space<vmem>>) dst(%dma_wait3A_409 : memref<128x64xbf16, #tpu.memory_space<hbm>>)
      } else {
      }
      %add3A_91 = arith.constant 3 : i32
      %add3A_92 = arith.addi %add3A_46, %add3A_91 : i32
      %lt3A_93 = arith.constant 50 : i32
      %lt3A_94 = arith.cmpi slt, %add3A_92, %lt3A_93 : i32
      %convert_element_type3A_95 = arith.extui %lt3A_94 : i1 to i32
      %cond3A_96 = arith.constant 0 : i32
      %cond3A_97 = arith.cmpi ne, %convert_element_type3A_95, %cond3A_96 : i32
      scf.if %cond3A_97 {
        %add3A_362 = arith.constant 3 : i32
        %add3A_363 = arith.addi %add3A_46, %add3A_362 : i32
        %dma_start3A_364 = arith.constant 0 : i32
        %dma_start3A_365 = tpu.memref_slice %arg5[%add3A_363, %dma_start3A_364] : memref<50x128xi32, #tpu.memory_space<vmem>> -> memref<1x128xi32, #tpu.memory_space<vmem>>
        %dma_start3A_366 = tpu.memref_squeeze %dma_start3A_365 : memref<1x128xi32, #tpu.memory_space<vmem>> -> memref<128xi32, #tpu.memory_space<vmem>>
        %dma_start3A_367 = arith.constant 0 : i32
        %dma_start3A_368 = arith.constant 0 : i32
        %dma_start3A_369 = tpu.memref_slice %arg2[%dma_start3A_367, %dma_start3A_368] : memref<102400x64xbf16, #tpu.memory_space<hbm>> -> memref<102400x64xbf16, #tpu.memory_space<hbm>>
        tpu.enqueue_indirect_dma source(%dma_start3A_369 : memref<102400x64xbf16, #tpu.memory_space<hbm>>) target(%arg9 : memref<128x64xbf16, #tpu.memory_space<vmem>>) offsets(%dma_start3A_366 : memref<128xi32, #tpu.memory_space<vmem>>) semaphore(%arg14 : memref<!tpu.dma_semaphore, #tpu.memory_space<semaphore_mem>>)
      } else {
      }
      %add3A_98 = arith.constant 1 : i32
      %add3A_99 = arith.addi %mul3A_44, %add3A_98 : i32
      %dma_wait3A_100 = arith.constant 0 : i32
      %dma_wait3A_101 = tpu.memref_slice %arg5[%add3A_99, %dma_wait3A_100] : memref<50x128xi32, #tpu.memory_space<vmem>> -> memref<1x128xi32, #tpu.memory_space<vmem>>
      %dma_wait3A_102 = tpu.memref_squeeze %dma_wait3A_101 : memref<1x128xi32, #tpu.memory_space<vmem>> -> memref<128xi32, #tpu.memory_space<vmem>>
      %dma_wait3A_103 = arith.constant 0 : i32
      %dma_wait3A_104 = arith.constant 0 : i32
      %dma_wait3A_105 = tpu.memref_slice %arg2[%dma_wait3A_103, %dma_wait3A_104] : memref<102400x64xbf16, #tpu.memory_space<hbm>> -> memref<102400x64xbf16, #tpu.memory_space<hbm>>
      tpu.wait_indirect_dma semaphore(%arg12 : memref<!tpu.dma_semaphore, #tpu.memory_space<semaphore_mem>>) src(%dma_wait3A_105 : memref<102400x64xbf16, #tpu.memory_space<hbm>>) dst(%arg7 : memref<128x64xbf16, #tpu.memory_space<vmem>>)
      %jit3A_106 = arith.constant 2 : i32
      %div3A_107 = arith.divsi %add3A_99, %jit3A_106 : i32
      %sign3A_108 = arith.constant 0 : i32
      %sign3A_109 = arith.cmpi sgt, %add3A_99, %sign3A_108 : i32
      %sign3A_110 = arith.extui %sign3A_109 : i1 to i32
      %sign3A_111 = arith.constant 0 : i32
      %sign3A_112 = arith.cmpi slt, %add3A_99, %sign3A_111 : i32
      %sign3A_113 = arith.extui %sign3A_112 : i1 to i32
      %sign3A_114 = arith.subi %sign3A_110, %sign3A_113 : i32
      %sign3A_115 = arith.constant 0 : i32
      %sign3A_116 = arith.cmpi sgt, %jit3A_106, %sign3A_115 : i32
      %sign3A_117 = arith.extui %sign3A_116 : i1 to i32
      %sign3A_118 = arith.constant 0 : i32
      %sign3A_119 = arith.cmpi slt, %jit3A_106, %sign3A_118 : i32
      %sign3A_120 = arith.extui %sign3A_119 : i1 to i32
      %sign3A_121 = arith.subi %sign3A_117, %sign3A_120 : i32
      %ne3A_122 = arith.cmpi ne, %sign3A_114, %sign3A_121 : i32
      %rem3A_123 = arith.remsi %add3A_99, %jit3A_106 : i32
      %ne3A_124 = arith.constant 0 : i32
      %ne3A_125 = arith.cmpi ne, %rem3A_123, %ne3A_124 : i32
      %and3A_126 = arith.andi %ne3A_122, %ne3A_125 : i1
      %sub3A_127 = arith.constant 1 : i32
      %sub3A_128 = arith.subi %div3A_107, %sub3A_127 : i32
      %select_n3A_129 = arith.select %and3A_126, %sub3A_128, %div3A_107 : i32
      %jit3A_130 = arith.constant 2 : i32
      %eq3A_131 = arith.constant 0 : i32
      %eq3A_132 = arith.cmpi eq, %jit3A_130, %eq3A_131 : i32
      %jit3A_133 = arith.constant 1 : i32
      %select_n3A_134 = arith.select %eq3A_132, %jit3A_133, %jit3A_130 : i32
      %rem3A_135 = arith.remsi %add3A_99, %select_n3A_134 : i32
      %ne3A_136 = arith.constant 0 : i32
      %ne3A_137 = arith.cmpi ne, %rem3A_135, %ne3A_136 : i32
      %lt3A_138 = arith.constant 0 : i32
      %lt3A_139 = arith.cmpi slt, %rem3A_135, %lt3A_138 : i32
      %lt3A_140 = arith.constant 0 : i32
      %lt3A_141 = arith.cmpi slt, %select_n3A_134, %lt3A_140 : i32
      %ne3A_142 = arith.xori %lt3A_139, %lt3A_141 : i1
      %and3A_143 = arith.andi %ne3A_142, %ne3A_137 : i1
      %add3A_144 = arith.addi %rem3A_135, %select_n3A_134 : i32
      %select_n3A_145 = arith.select %and3A_143, %add3A_144, %rem3A_135 : i32
      %dma_start3A_146 = arith.constant 0 : i32
      %dma_start3A_147 = tpu.memref_slice %arg4[%select_n3A_129, %mul3A_2, %select_n3A_145, %dma_start3A_146] : memref<25x4096x2x64xbf16, #tpu.memory_space<hbm>> -> memref<1x128x1x64xbf16, #tpu.memory_space<hbm>>
      %dma_start3A_148 = tpu.memref_squeeze %dma_start3A_147 : memref<1x128x1x64xbf16, #tpu.memory_space<hbm>> -> memref<128x64xbf16, #tpu.memory_space<hbm>>
      %dma_start3A_149 = arith.constant 0 : i32
      %dma_start3A_150 = tpu.memref_slice %arg4[%select_n3A_129, %mul3A_2, %select_n3A_145, %dma_start3A_149] : memref<25x4096x2x64xbf16, #tpu.memory_space<hbm>> -> memref<1x128x1x64xbf16, #tpu.memory_space<hbm>>
      %dma_start3A_151 = tpu.memref_squeeze %dma_start3A_150 : memref<1x128x1x64xbf16, #tpu.memory_space<hbm>> -> memref<128x64xbf16, #tpu.memory_space<hbm>>
      tpu.enqueue_dma source(%arg7 : memref<128x64xbf16, #tpu.memory_space<vmem>>) target(%dma_start3A_151 : memref<128x64xbf16, #tpu.memory_space<hbm>>) target_semaphore(%arg17 : memref<!tpu.dma_semaphore, #tpu.memory_space<semaphore_mem>>)
      %ge3A_152 = arith.constant 2 : i32
      %ge3A_153 = arith.cmpi sge, %add3A_99, %ge3A_152 : i32
      %convert_element_type3A_154 = arith.extui %ge3A_153 : i1 to i32
      %cond3A_155 = arith.constant 0 : i32
      %cond3A_156 = arith.cmpi ne, %convert_element_type3A_154, %cond3A_155 : i32
      scf.if %cond3A_156 {
        %sub3A_362 = arith.constant 2 : i32
        %sub3A_363 = arith.subi %add3A_99, %sub3A_362 : i32
        %jit3A_364 = arith.constant 2 : i32
        %div3A_365 = arith.divsi %sub3A_363, %jit3A_364 : i32
        %sign3A_366 = arith.constant 0 : i32
        %sign3A_367 = arith.cmpi sgt, %sub3A_363, %sign3A_366 : i32
        %sign3A_368 = arith.extui %sign3A_367 : i1 to i32
        %sign3A_369 = arith.constant 0 : i32
        %sign3A_370 = arith.cmpi slt, %sub3A_363, %sign3A_369 : i32
        %sign3A_371 = arith.extui %sign3A_370 : i1 to i32
        %sign3A_372 = arith.subi %sign3A_368, %sign3A_371 : i32
        %sign3A_373 = arith.constant 0 : i32
        %sign3A_374 = arith.cmpi sgt, %jit3A_364, %sign3A_373 : i32
        %sign3A_375 = arith.extui %sign3A_374 : i1 to i32
        %sign3A_376 = arith.constant 0 : i32
        %sign3A_377 = arith.cmpi slt, %jit3A_364, %sign3A_376 : i32
        %sign3A_378 = arith.extui %sign3A_377 : i1 to i32
        %sign3A_379 = arith.subi %sign3A_375, %sign3A_378 : i32
        %ne3A_380 = arith.cmpi ne, %sign3A_372, %sign3A_379 : i32
        %rem3A_381 = arith.remsi %sub3A_363, %jit3A_364 : i32
        %ne3A_382 = arith.constant 0 : i32
        %ne3A_383 = arith.cmpi ne, %rem3A_381, %ne3A_382 : i32
        %and3A_384 = arith.andi %ne3A_380, %ne3A_383 : i1
        %sub3A_385 = arith.constant 1 : i32
        %sub3A_386 = arith.subi %div3A_365, %sub3A_385 : i32
        %select_n3A_387 = arith.select %and3A_384, %sub3A_386, %div3A_365 : i32
        %jit3A_388 = arith.constant 2 : i32
        %eq3A_389 = arith.constant 0 : i32
        %eq3A_390 = arith.cmpi eq, %jit3A_388, %eq3A_389 : i32
        %jit3A_391 = arith.constant 1 : i32
        %select_n3A_392 = arith.select %eq3A_390, %jit3A_391, %jit3A_388 : i32
        %rem3A_393 = arith.remsi %sub3A_363, %select_n3A_392 : i32
        %ne3A_394 = arith.constant 0 : i32
        %ne3A_395 = arith.cmpi ne, %rem3A_393, %ne3A_394 : i32
        %lt3A_396 = arith.constant 0 : i32
        %lt3A_397 = arith.cmpi slt, %rem3A_393, %lt3A_396 : i32
        %lt3A_398 = arith.constant 0 : i32
        %lt3A_399 = arith.cmpi slt, %select_n3A_392, %lt3A_398 : i32
        %ne3A_400 = arith.xori %lt3A_397, %lt3A_399 : i1
        %and3A_401 = arith.andi %ne3A_400, %ne3A_395 : i1
        %add3A_402 = arith.addi %rem3A_393, %select_n3A_392 : i32
        %select_n3A_403 = arith.select %and3A_401, %add3A_402, %rem3A_393 : i32
        %dma_wait3A_404 = arith.constant 0 : i32
        %dma_wait3A_405 = tpu.memref_slice %arg4[%select_n3A_387, %mul3A_2, %select_n3A_403, %dma_wait3A_404] : memref<25x4096x2x64xbf16, #tpu.memory_space<hbm>> -> memref<1x128x1x64xbf16, #tpu.memory_space<hbm>>
        %dma_wait3A_406 = tpu.memref_squeeze %dma_wait3A_405 : memref<1x128x1x64xbf16, #tpu.memory_space<hbm>> -> memref<128x64xbf16, #tpu.memory_space<hbm>>
        %dma_wait3A_407 = arith.constant 0 : i32
        %dma_wait3A_408 = tpu.memref_slice %arg4[%select_n3A_387, %mul3A_2, %select_n3A_403, %dma_wait3A_407] : memref<25x4096x2x64xbf16, #tpu.memory_space<hbm>> -> memref<1x128x1x64xbf16, #tpu.memory_space<hbm>>
        %dma_wait3A_409 = tpu.memref_squeeze %dma_wait3A_408 : memref<1x128x1x64xbf16, #tpu.memory_space<hbm>> -> memref<128x64xbf16, #tpu.memory_space<hbm>>
        tpu.wait_dma2 semaphore(%arg20 : memref<!tpu.dma_semaphore, #tpu.memory_space<semaphore_mem>>) src(%arg10 : memref<128x64xbf16, #tpu.memory_space<vmem>>) dst(%dma_wait3A_409 : memref<128x64xbf16, #tpu.memory_space<hbm>>)
      } else {
      }
      %add3A_157 = arith.constant 3 : i32
      %add3A_158 = arith.addi %add3A_99, %add3A_157 : i32
      %lt3A_159 = arith.constant 50 : i32
      %lt3A_160 = arith.cmpi slt, %add3A_158, %lt3A_159 : i32
      %convert_element_type3A_161 = arith.extui %lt3A_160 : i1 to i32
      %cond3A_162 = arith.constant 0 : i32
      %cond3A_163 = arith.cmpi ne, %convert_element_type3A_161, %cond3A_162 : i32
      scf.if %cond3A_163 {
        %add3A_362 = arith.constant 3 : i32
        %add3A_363 = arith.addi %add3A_99, %add3A_362 : i32
        %dma_start3A_364 = arith.constant 0 : i32
        %dma_start3A_365 = tpu.memref_slice %arg5[%add3A_363, %dma_start3A_364] : memref<50x128xi32, #tpu.memory_space<vmem>> -> memref<1x128xi32, #tpu.memory_space<vmem>>
        %dma_start3A_366 = tpu.memref_squeeze %dma_start3A_365 : memref<1x128xi32, #tpu.memory_space<vmem>> -> memref<128xi32, #tpu.memory_space<vmem>>
        %dma_start3A_367 = arith.constant 0 : i32
        %dma_start3A_368 = arith.constant 0 : i32
        %dma_start3A_369 = tpu.memref_slice %arg2[%dma_start3A_367, %dma_start3A_368] : memref<102400x64xbf16, #tpu.memory_space<hbm>> -> memref<102400x64xbf16, #tpu.memory_space<hbm>>
        tpu.enqueue_indirect_dma source(%dma_start3A_369 : memref<102400x64xbf16, #tpu.memory_space<hbm>>) target(%arg10 : memref<128x64xbf16, #tpu.memory_space<vmem>>) offsets(%dma_start3A_366 : memref<128xi32, #tpu.memory_space<vmem>>) semaphore(%arg15 : memref<!tpu.dma_semaphore, #tpu.memory_space<semaphore_mem>>)
      } else {
      }
      %add3A_164 = arith.constant 2 : i32
      %add3A_165 = arith.addi %mul3A_44, %add3A_164 : i32
      %dma_wait3A_166 = arith.constant 0 : i32
      %dma_wait3A_167 = tpu.memref_slice %arg5[%add3A_165, %dma_wait3A_166] : memref<50x128xi32, #tpu.memory_space<vmem>> -> memref<1x128xi32, #tpu.memory_space<vmem>>
      %dma_wait3A_168 = tpu.memref_squeeze %dma_wait3A_167 : memref<1x128xi32, #tpu.memory_space<vmem>> -> memref<128xi32, #tpu.memory_space<vmem>>
      %dma_wait3A_169 = arith.constant 0 : i32
      %dma_wait3A_170 = arith.constant 0 : i32
      %dma_wait3A_171 = tpu.memref_slice %arg2[%dma_wait3A_169, %dma_wait3A_170] : memref<102400x64xbf16, #tpu.memory_space<hbm>> -> memref<102400x64xbf16, #tpu.memory_space<hbm>>
      tpu.wait_indirect_dma semaphore(%arg13 : memref<!tpu.dma_semaphore, #tpu.memory_space<semaphore_mem>>) src(%dma_wait3A_171 : memref<102400x64xbf16, #tpu.memory_space<hbm>>) dst(%arg8 : memref<128x64xbf16, #tpu.memory_space<vmem>>)
      %jit3A_172 = arith.constant 2 : i32
      %div3A_173 = arith.divsi %add3A_165, %jit3A_172 : i32
      %sign3A_174 = arith.constant 0 : i32
      %sign3A_175 = arith.cmpi sgt, %add3A_165, %sign3A_174 : i32
      %sign3A_176 = arith.extui %sign3A_175 : i1 to i32
      %sign3A_177 = arith.constant 0 : i32
      %sign3A_178 = arith.cmpi slt, %add3A_165, %sign3A_177 : i32
      %sign3A_179 = arith.extui %sign3A_178 : i1 to i32
      %sign3A_180 = arith.subi %sign3A_176, %sign3A_179 : i32
      %sign3A_181 = arith.constant 0 : i32
      %sign3A_182 = arith.cmpi sgt, %jit3A_172, %sign3A_181 : i32
      %sign3A_183 = arith.extui %sign3A_182 : i1 to i32
      %sign3A_184 = arith.constant 0 : i32
      %sign3A_185 = arith.cmpi slt, %jit3A_172, %sign3A_184 : i32
      %sign3A_186 = arith.extui %sign3A_185 : i1 to i32
      %sign3A_187 = arith.subi %sign3A_183, %sign3A_186 : i32
      %ne3A_188 = arith.cmpi ne, %sign3A_180, %sign3A_187 : i32
      %rem3A_189 = arith.remsi %add3A_165, %jit3A_172 : i32
      %ne3A_190 = arith.constant 0 : i32
      %ne3A_191 = arith.cmpi ne, %rem3A_189, %ne3A_190 : i32
      %and3A_192 = arith.andi %ne3A_188, %ne3A_191 : i1
      %sub3A_193 = arith.constant 1 : i32
      %sub3A_194 = arith.subi %div3A_173, %sub3A_193 : i32
      %select_n3A_195 = arith.select %and3A_192, %sub3A_194, %div3A_173 : i32
      %jit3A_196 = arith.constant 2 : i32
      %eq3A_197 = arith.constant 0 : i32
      %eq3A_198 = arith.cmpi eq, %jit3A_196, %eq3A_197 : i32
      %jit3A_199 = arith.constant 1 : i32
      %select_n3A_200 = arith.select %eq3A_198, %jit3A_199, %jit3A_196 : i32
      %rem3A_201 = arith.remsi %add3A_165, %select_n3A_200 : i32
      %ne3A_202 = arith.constant 0 : i32
      %ne3A_203 = arith.cmpi ne, %rem3A_201, %ne3A_202 : i32
      %lt3A_204 = arith.constant 0 : i32
      %lt3A_205 = arith.cmpi slt, %rem3A_201, %lt3A_204 : i32
      %lt3A_206 = arith.constant 0 : i32
      %lt3A_207 = arith.cmpi slt, %select_n3A_200, %lt3A_206 : i32
      %ne3A_208 = arith.xori %lt3A_205, %lt3A_207 : i1
      %and3A_209 = arith.andi %ne3A_208, %ne3A_203 : i1
      %add3A_210 = arith.addi %rem3A_201, %select_n3A_200 : i32
      %select_n3A_211 = arith.select %and3A_209, %add3A_210, %rem3A_201 : i32
      %dma_start3A_212 = arith.constant 0 : i32
      %dma_start3A_213 = tpu.memref_slice %arg4[%select_n3A_195, %mul3A_2, %select_n3A_211, %dma_start3A_212] : memref<25x4096x2x64xbf16, #tpu.memory_space<hbm>> -> memref<1x128x1x64xbf16, #tpu.memory_space<hbm>>
      %dma_start3A_214 = tpu.memref_squeeze %dma_start3A_213 : memref<1x128x1x64xbf16, #tpu.memory_space<hbm>> -> memref<128x64xbf16, #tpu.memory_space<hbm>>
      %dma_start3A_215 = arith.constant 0 : i32
      %dma_start3A_216 = tpu.memref_slice %arg4[%select_n3A_195, %mul3A_2, %select_n3A_211, %dma_start3A_215] : memref<25x4096x2x64xbf16, #tpu.memory_space<hbm>> -> memref<1x128x1x64xbf16, #tpu.memory_space<hbm>>
      %dma_start3A_217 = tpu.memref_squeeze %dma_start3A_216 : memref<1x128x1x64xbf16, #tpu.memory_space<hbm>> -> memref<128x64xbf16, #tpu.memory_space<hbm>>
      tpu.enqueue_dma source(%arg8 : memref<128x64xbf16, #tpu.memory_space<vmem>>) target(%dma_start3A_217 : memref<128x64xbf16, #tpu.memory_space<hbm>>) target_semaphore(%arg18 : memref<!tpu.dma_semaphore, #tpu.memory_space<semaphore_mem>>)
      %ge3A_218 = arith.constant 2 : i32
      %ge3A_219 = arith.cmpi sge, %add3A_165, %ge3A_218 : i32
      %convert_element_type3A_220 = arith.extui %ge3A_219 : i1 to i32
      %cond3A_221 = arith.constant 0 : i32
      %cond3A_222 = arith.cmpi ne, %convert_element_type3A_220, %cond3A_221 : i32
      scf.if %cond3A_222 {
        %sub3A_362 = arith.constant 2 : i32
        %sub3A_363 = arith.subi %add3A_165, %sub3A_362 : i32
        %jit3A_364 = arith.constant 2 : i32
        %div3A_365 = arith.divsi %sub3A_363, %jit3A_364 : i32
        %sign3A_366 = arith.constant 0 : i32
        %sign3A_367 = arith.cmpi sgt, %sub3A_363, %sign3A_366 : i32
        %sign3A_368 = arith.extui %sign3A_367 : i1 to i32
        %sign3A_369 = arith.constant 0 : i32
        %sign3A_370 = arith.cmpi slt, %sub3A_363, %sign3A_369 : i32
        %sign3A_371 = arith.extui %sign3A_370 : i1 to i32
        %sign3A_372 = arith.subi %sign3A_368, %sign3A_371 : i32
        %sign3A_373 = arith.constant 0 : i32
        %sign3A_374 = arith.cmpi sgt, %jit3A_364, %sign3A_373 : i32
        %sign3A_375 = arith.extui %sign3A_374 : i1 to i32
        %sign3A_376 = arith.constant 0 : i32
        %sign3A_377 = arith.cmpi slt, %jit3A_364, %sign3A_376 : i32
        %sign3A_378 = arith.extui %sign3A_377 : i1 to i32
        %sign3A_379 = arith.subi %sign3A_375, %sign3A_378 : i32
        %ne3A_380 = arith.cmpi ne, %sign3A_372, %sign3A_379 : i32
        %rem3A_381 = arith.remsi %sub3A_363, %jit3A_364 : i32
        %ne3A_382 = arith.constant 0 : i32
        %ne3A_383 = arith.cmpi ne, %rem3A_381, %ne3A_382 : i32
        %and3A_384 = arith.andi %ne3A_380, %ne3A_383 : i1
        %sub3A_385 = arith.constant 1 : i32
        %sub3A_386 = arith.subi %div3A_365, %sub3A_385 : i32
        %select_n3A_387 = arith.select %and3A_384, %sub3A_386, %div3A_365 : i32
        %jit3A_388 = arith.constant 2 : i32
        %eq3A_389 = arith.constant 0 : i32
        %eq3A_390 = arith.cmpi eq, %jit3A_388, %eq3A_389 : i32
        %jit3A_391 = arith.constant 1 : i32
        %select_n3A_392 = arith.select %eq3A_390, %jit3A_391, %jit3A_388 : i32
        %rem3A_393 = arith.remsi %sub3A_363, %select_n3A_392 : i32
        %ne3A_394 = arith.constant 0 : i32
        %ne3A_395 = arith.cmpi ne, %rem3A_393, %ne3A_394 : i32
        %lt3A_396 = arith.constant 0 : i32
        %lt3A_397 = arith.cmpi slt, %rem3A_393, %lt3A_396 : i32
        %lt3A_398 = arith.constant 0 : i32
        %lt3A_399 = arith.cmpi slt, %select_n3A_392, %lt3A_398 : i32
        %ne3A_400 = arith.xori %lt3A_397, %lt3A_399 : i1
        %and3A_401 = arith.andi %ne3A_400, %ne3A_395 : i1
        %add3A_402 = arith.addi %rem3A_393, %select_n3A_392 : i32
        %select_n3A_403 = arith.select %and3A_401, %add3A_402, %rem3A_393 : i32
        %dma_wait3A_404 = arith.constant 0 : i32
        %dma_wait3A_405 = tpu.memref_slice %arg4[%select_n3A_387, %mul3A_2, %select_n3A_403, %dma_wait3A_404] : memref<25x4096x2x64xbf16, #tpu.memory_space<hbm>> -> memref<1x128x1x64xbf16, #tpu.memory_space<hbm>>
        %dma_wait3A_406 = tpu.memref_squeeze %dma_wait3A_405 : memref<1x128x1x64xbf16, #tpu.memory_space<hbm>> -> memref<128x64xbf16, #tpu.memory_space<hbm>>
        %dma_wait3A_407 = arith.constant 0 : i32
        %dma_wait3A_408 = tpu.memref_slice %arg4[%select_n3A_387, %mul3A_2, %select_n3A_403, %dma_wait3A_407] : memref<25x4096x2x64xbf16, #tpu.memory_space<hbm>> -> memref<1x128x1x64xbf16, #tpu.memory_space<hbm>>
        %dma_wait3A_409 = tpu.memref_squeeze %dma_wait3A_408 : memref<1x128x1x64xbf16, #tpu.memory_space<hbm>> -> memref<128x64xbf16, #tpu.memory_space<hbm>>
        tpu.wait_dma2 semaphore(%arg16 : memref<!tpu.dma_semaphore, #tpu.memory_space<semaphore_mem>>) src(%arg6 : memref<128x64xbf16, #tpu.memory_space<vmem>>) dst(%dma_wait3A_409 : memref<128x64xbf16, #tpu.memory_space<hbm>>)
      } else {
      }
      %add3A_223 = arith.constant 3 : i32
      %add3A_224 = arith.addi %add3A_165, %add3A_223 : i32
      %lt3A_225 = arith.constant 50 : i32
      %lt3A_226 = arith.cmpi slt, %add3A_224, %lt3A_225 : i32
      %convert_element_type3A_227 = arith.extui %lt3A_226 : i1 to i32
      %cond3A_228 = arith.constant 0 : i32
      %cond3A_229 = arith.cmpi ne, %convert_element_type3A_227, %cond3A_228 : i32
      scf.if %cond3A_229 {
        %add3A_362 = arith.constant 3 : i32
        %add3A_363 = arith.addi %add3A_165, %add3A_362 : i32
        %dma_start3A_364 = arith.constant 0 : i32
        %dma_start3A_365 = tpu.memref_slice %arg5[%add3A_363, %dma_start3A_364] : memref<50x128xi32, #tpu.memory_space<vmem>> -> memref<1x128xi32, #tpu.memory_space<vmem>>
        %dma_start3A_366 = tpu.memref_squeeze %dma_start3A_365 : memref<1x128xi32, #tpu.memory_space<vmem>> -> memref<128xi32, #tpu.memory_space<vmem>>
        %dma_start3A_367 = arith.constant 0 : i32
        %dma_start3A_368 = arith.constant 0 : i32
        %dma_start3A_369 = tpu.memref_slice %arg2[%dma_start3A_367, %dma_start3A_368] : memref<102400x64xbf16, #tpu.memory_space<hbm>> -> memref<102400x64xbf16, #tpu.memory_space<hbm>>
        tpu.enqueue_indirect_dma source(%dma_start3A_369 : memref<102400x64xbf16, #tpu.memory_space<hbm>>) target(%arg6 : memref<128x64xbf16, #tpu.memory_space<vmem>>) offsets(%dma_start3A_366 : memref<128xi32, #tpu.memory_space<vmem>>) semaphore(%arg11 : memref<!tpu.dma_semaphore, #tpu.memory_space<semaphore_mem>>)
      } else {
      }
      %add3A_230 = arith.constant 3 : i32
      %add3A_231 = arith.addi %mul3A_44, %add3A_230 : i32
      %dma_wait3A_232 = arith.constant 0 : i32
      %dma_wait3A_233 = tpu.memref_slice %arg5[%add3A_231, %dma_wait3A_232] : memref<50x128xi32, #tpu.memory_space<vmem>> -> memref<1x128xi32, #tpu.memory_space<vmem>>
      %dma_wait3A_234 = tpu.memref_squeeze %dma_wait3A_233 : memref<1x128xi32, #tpu.memory_space<vmem>> -> memref<128xi32, #tpu.memory_space<vmem>>
      %dma_wait3A_235 = arith.constant 0 : i32
      %dma_wait3A_236 = arith.constant 0 : i32
      %dma_wait3A_237 = tpu.memref_slice %arg2[%dma_wait3A_235, %dma_wait3A_236] : memref<102400x64xbf16, #tpu.memory_space<hbm>> -> memref<102400x64xbf16, #tpu.memory_space<hbm>>
      tpu.wait_indirect_dma semaphore(%arg14 : memref<!tpu.dma_semaphore, #tpu.memory_space<semaphore_mem>>) src(%dma_wait3A_237 : memref<102400x64xbf16, #tpu.memory_space<hbm>>) dst(%arg9 : memref<128x64xbf16, #tpu.memory_space<vmem>>)
      %jit3A_238 = arith.constant 2 : i32
      %div3A_239 = arith.divsi %add3A_231, %jit3A_238 : i32
      %sign3A_240 = arith.constant 0 : i32
      %sign3A_241 = arith.cmpi sgt, %add3A_231, %sign3A_240 : i32
      %sign3A_242 = arith.extui %sign3A_241 : i1 to i32
      %sign3A_243 = arith.constant 0 : i32
      %sign3A_244 = arith.cmpi slt, %add3A_231, %sign3A_243 : i32
      %sign3A_245 = arith.extui %sign3A_244 : i1 to i32
      %sign3A_246 = arith.subi %sign3A_242, %sign3A_245 : i32
      %sign3A_247 = arith.constant 0 : i32
      %sign3A_248 = arith.cmpi sgt, %jit3A_238, %sign3A_247 : i32
      %sign3A_249 = arith.extui %sign3A_248 : i1 to i32
      %sign3A_250 = arith.constant 0 : i32
      %sign3A_251 = arith.cmpi slt, %jit3A_238, %sign3A_250 : i32
      %sign3A_252 = arith.extui %sign3A_251 : i1 to i32
      %sign3A_253 = arith.subi %sign3A_249, %sign3A_252 : i32
      %ne3A_254 = arith.cmpi ne, %sign3A_246, %sign3A_253 : i32
      %rem3A_255 = arith.remsi %add3A_231, %jit3A_238 : i32
      %ne3A_256 = arith.constant 0 : i32
      %ne3A_257 = arith.cmpi ne, %rem3A_255, %ne3A_256 : i32
      %and3A_258 = arith.andi %ne3A_254, %ne3A_257 : i1
      %sub3A_259 = arith.constant 1 : i32
      %sub3A_260 = arith.subi %div3A_239, %sub3A_259 : i32
      %select_n3A_261 = arith.select %and3A_258, %sub3A_260, %div3A_239 : i32
      %jit3A_262 = arith.constant 2 : i32
      %eq3A_263 = arith.constant 0 : i32
      %eq3A_264 = arith.cmpi eq, %jit3A_262, %eq3A_263 : i32
      %jit3A_265 = arith.constant 1 : i32
      %select_n3A_266 = arith.select %eq3A_264, %jit3A_265, %jit3A_262 : i32
      %rem3A_267 = arith.remsi %add3A_231, %select_n3A_266 : i32
      %ne3A_268 = arith.constant 0 : i32
      %ne3A_269 = arith.cmpi ne, %rem3A_267, %ne3A_268 : i32
      %lt3A_270 = arith.constant 0 : i32
      %lt3A_271 = arith.cmpi slt, %rem3A_267, %lt3A_270 : i32
      %lt3A_272 = arith.constant 0 : i32
      %lt3A_273 = arith.cmpi slt, %select_n3A_266, %lt3A_272 : i32
      %ne3A_274 = arith.xori %lt3A_271, %lt3A_273 : i1
      %and3A_275 = arith.andi %ne3A_274, %ne3A_269 : i1
      %add3A_276 = arith.addi %rem3A_267, %select_n3A_266 : i32
      %select_n3A_277 = arith.select %and3A_275, %add3A_276, %rem3A_267 : i32
      %dma_start3A_278 = arith.constant 0 : i32
      %dma_start3A_279 = tpu.memref_slice %arg4[%select_n3A_261, %mul3A_2, %select_n3A_277, %dma_start3A_278] : memref<25x4096x2x64xbf16, #tpu.memory_space<hbm>> -> memref<1x128x1x64xbf16, #tpu.memory_space<hbm>>
      %dma_start3A_280 = tpu.memref_squeeze %dma_start3A_279 : memref<1x128x1x64xbf16, #tpu.memory_space<hbm>> -> memref<128x64xbf16, #tpu.memory_space<hbm>>
      %dma_start3A_281 = arith.constant 0 : i32
      %dma_start3A_282 = tpu.memref_slice %arg4[%select_n3A_261, %mul3A_2, %select_n3A_277, %dma_start3A_281] : memref<25x4096x2x64xbf16, #tpu.memory_space<hbm>> -> memref<1x128x1x64xbf16, #tpu.memory_space<hbm>>
      %dma_start3A_283 = tpu.memref_squeeze %dma_start3A_282 : memref<1x128x1x64xbf16, #tpu.memory_space<hbm>> -> memref<128x64xbf16, #tpu.memory_space<hbm>>
      tpu.enqueue_dma source(%arg9 : memref<128x64xbf16, #tpu.memory_space<vmem>>) target(%dma_start3A_283 : memref<128x64xbf16, #tpu.memory_space<hbm>>) target_semaphore(%arg19 : memref<!tpu.dma_semaphore, #tpu.memory_space<semaphore_mem>>)
      %ge3A_284 = arith.constant 2 : i32
      %ge3A_285 = arith.cmpi sge, %add3A_231, %ge3A_284 : i32
      %convert_element_type3A_286 = arith.extui %ge3A_285 : i1 to i32
      %cond3A_287 = arith.constant 0 : i32
      %cond3A_288 = arith.cmpi ne, %convert_element_type3A_286, %cond3A_287 : i32
      scf.if %cond3A_288 {
        %sub3A_362 = arith.constant 2 : i32
        %sub3A_363 = arith.subi %add3A_231, %sub3A_362 : i32
        %jit3A_364 = arith.constant 2 : i32
        %div3A_365 = arith.divsi %sub3A_363, %jit3A_364 : i32
        %sign3A_366 = arith.constant 0 : i32
        %sign3A_367 = arith.cmpi sgt, %sub3A_363, %sign3A_366 : i32
        %sign3A_368 = arith.extui %sign3A_367 : i1 to i32
        %sign3A_369 = arith.constant 0 : i32
        %sign3A_370 = arith.cmpi slt, %sub3A_363, %sign3A_369 : i32
        %sign3A_371 = arith.extui %sign3A_370 : i1 to i32
        %sign3A_372 = arith.subi %sign3A_368, %sign3A_371 : i32
        %sign3A_373 = arith.constant 0 : i32
        %sign3A_374 = arith.cmpi sgt, %jit3A_364, %sign3A_373 : i32
        %sign3A_375 = arith.extui %sign3A_374 : i1 to i32
        %sign3A_376 = arith.constant 0 : i32
        %sign3A_377 = arith.cmpi slt, %jit3A_364, %sign3A_376 : i32
        %sign3A_378 = arith.extui %sign3A_377 : i1 to i32
        %sign3A_379 = arith.subi %sign3A_375, %sign3A_378 : i32
        %ne3A_380 = arith.cmpi ne, %sign3A_372, %sign3A_379 : i32
        %rem3A_381 = arith.remsi %sub3A_363, %jit3A_364 : i32
        %ne3A_382 = arith.constant 0 : i32
        %ne3A_383 = arith.cmpi ne, %rem3A_381, %ne3A_382 : i32
        %and3A_384 = arith.andi %ne3A_380, %ne3A_383 : i1
        %sub3A_385 = arith.constant 1 : i32
        %sub3A_386 = arith.subi %div3A_365, %sub3A_385 : i32
        %select_n3A_387 = arith.select %and3A_384, %sub3A_386, %div3A_365 : i32
        %jit3A_388 = arith.constant 2 : i32
        %eq3A_389 = arith.constant 0 : i32
        %eq3A_390 = arith.cmpi eq, %jit3A_388, %eq3A_389 : i32
        %jit3A_391 = arith.constant 1 : i32
        %select_n3A_392 = arith.select %eq3A_390, %jit3A_391, %jit3A_388 : i32
        %rem3A_393 = arith.remsi %sub3A_363, %select_n3A_392 : i32
        %ne3A_394 = arith.constant 0 : i32
        %ne3A_395 = arith.cmpi ne, %rem3A_393, %ne3A_394 : i32
        %lt3A_396 = arith.constant 0 : i32
        %lt3A_397 = arith.cmpi slt, %rem3A_393, %lt3A_396 : i32
        %lt3A_398 = arith.constant 0 : i32
        %lt3A_399 = arith.cmpi slt, %select_n3A_392, %lt3A_398 : i32
        %ne3A_400 = arith.xori %lt3A_397, %lt3A_399 : i1
        %and3A_401 = arith.andi %ne3A_400, %ne3A_395 : i1
        %add3A_402 = arith.addi %rem3A_393, %select_n3A_392 : i32
        %select_n3A_403 = arith.select %and3A_401, %add3A_402, %rem3A_393 : i32
        %dma_wait3A_404 = arith.constant 0 : i32
        %dma_wait3A_405 = tpu.memref_slice %arg4[%select_n3A_387, %mul3A_2, %select_n3A_403, %dma_wait3A_404] : memref<25x4096x2x64xbf16, #tpu.memory_space<hbm>> -> memref<1x128x1x64xbf16, #tpu.memory_space<hbm>>
        %dma_wait3A_406 = tpu.memref_squeeze %dma_wait3A_405 : memref<1x128x1x64xbf16, #tpu.memory_space<hbm>> -> memref<128x64xbf16, #tpu.memory_space<hbm>>
        %dma_wait3A_407 = arith.constant 0 : i32
        %dma_wait3A_408 = tpu.memref_slice %arg4[%select_n3A_387, %mul3A_2, %select_n3A_403, %dma_wait3A_407] : memref<25x4096x2x64xbf16, #tpu.memory_space<hbm>> -> memref<1x128x1x64xbf16, #tpu.memory_space<hbm>>
        %dma_wait3A_409 = tpu.memref_squeeze %dma_wait3A_408 : memref<1x128x1x64xbf16, #tpu.memory_space<hbm>> -> memref<128x64xbf16, #tpu.memory_space<hbm>>
        tpu.wait_dma2 semaphore(%arg17 : memref<!tpu.dma_semaphore, #tpu.memory_space<semaphore_mem>>) src(%arg7 : memref<128x64xbf16, #tpu.memory_space<vmem>>) dst(%dma_wait3A_409 : memref<128x64xbf16, #tpu.memory_space<hbm>>)
      } else {
      }
      %add3A_289 = arith.constant 3 : i32
      %add3A_290 = arith.addi %add3A_231, %add3A_289 : i32
      %lt3A_291 = arith.constant 50 : i32
      %lt3A_292 = arith.cmpi slt, %add3A_290, %lt3A_291 : i32
      %convert_element_type3A_293 = arith.extui %lt3A_292 : i1 to i32
      %cond3A_294 = arith.constant 0 : i32
      %cond3A_295 = arith.cmpi ne, %convert_element_type3A_293, %cond3A_294 : i32
      scf.if %cond3A_295 {
        %add3A_362 = arith.constant 3 : i32
        %add3A_363 = arith.addi %add3A_231, %add3A_362 : i32
        %dma_start3A_364 = arith.constant 0 : i32
        %dma_start3A_365 = tpu.memref_slice %arg5[%add3A_363, %dma_start3A_364] : memref<50x128xi32, #tpu.memory_space<vmem>> -> memref<1x128xi32, #tpu.memory_space<vmem>>
        %dma_start3A_366 = tpu.memref_squeeze %dma_start3A_365 : memref<1x128xi32, #tpu.memory_space<vmem>> -> memref<128xi32, #tpu.memory_space<vmem>>
        %dma_start3A_367 = arith.constant 0 : i32
        %dma_start3A_368 = arith.constant 0 : i32
        %dma_start3A_369 = tpu.memref_slice %arg2[%dma_start3A_367, %dma_start3A_368] : memref<102400x64xbf16, #tpu.memory_space<hbm>> -> memref<102400x64xbf16, #tpu.memory_space<hbm>>
        tpu.enqueue_indirect_dma source(%dma_start3A_369 : memref<102400x64xbf16, #tpu.memory_space<hbm>>) target(%arg7 : memref<128x64xbf16, #tpu.memory_space<vmem>>) offsets(%dma_start3A_366 : memref<128xi32, #tpu.memory_space<vmem>>) semaphore(%arg12 : memref<!tpu.dma_semaphore, #tpu.memory_space<semaphore_mem>>)
      } else {
      }
      %add3A_296 = arith.constant 4 : i32
      %add3A_297 = arith.addi %mul3A_44, %add3A_296 : i32
      %dma_wait3A_298 = arith.constant 0 : i32
      %dma_wait3A_299 = tpu.memref_slice %arg5[%add3A_297, %dma_wait3A_298] : memref<50x128xi32, #tpu.memory_space<vmem>> -> memref<1x128xi32, #tpu.memory_space<vmem>>
      %dma_wait3A_300 = tpu.memref_squeeze %dma_wait3A_299 : memref<1x128xi32, #tpu.memory_space<vmem>> -> memref<128xi32, #tpu.memory_space<vmem>>
      %dma_wait3A_301 = arith.constant 0 : i32
      %dma_wait3A_302 = arith.constant 0 : i32
      %dma_wait3A_303 = tpu.memref_slice %arg2[%dma_wait3A_301, %dma_wait3A_302] : memref<102400x64xbf16, #tpu.memory_space<hbm>> -> memref<102400x64xbf16, #tpu.memory_space<hbm>>
      tpu.wait_indirect_dma semaphore(%arg15 : memref<!tpu.dma_semaphore, #tpu.memory_space<semaphore_mem>>) src(%dma_wait3A_303 : memref<102400x64xbf16, #tpu.memory_space<hbm>>) dst(%arg10 : memref<128x64xbf16, #tpu.memory_space<vmem>>)
      %jit3A_304 = arith.constant 2 : i32
      %div3A_305 = arith.divsi %add3A_297, %jit3A_304 : i32
      %sign3A_306 = arith.constant 0 : i32
      %sign3A_307 = arith.cmpi sgt, %add3A_297, %sign3A_306 : i32
      %sign3A_308 = arith.extui %sign3A_307 : i1 to i32
      %sign3A_309 = arith.constant 0 : i32
      %sign3A_310 = arith.cmpi slt, %add3A_297, %sign3A_309 : i32
      %sign3A_311 = arith.extui %sign3A_310 : i1 to i32
      %sign3A_312 = arith.subi %sign3A_308, %sign3A_311 : i32
      %sign3A_313 = arith.constant 0 : i32
      %sign3A_314 = arith.cmpi sgt, %jit3A_304, %sign3A_313 : i32
      %sign3A_315 = arith.extui %sign3A_314 : i1 to i32
      %sign3A_316 = arith.constant 0 : i32
      %sign3A_317 = arith.cmpi slt, %jit3A_304, %sign3A_316 : i32
      %sign3A_318 = arith.extui %sign3A_317 : i1 to i32
      %sign3A_319 = arith.subi %sign3A_315, %sign3A_318 : i32
      %ne3A_320 = arith.cmpi ne, %sign3A_312, %sign3A_319 : i32
      %rem3A_321 = arith.remsi %add3A_297, %jit3A_304 : i32
      %ne3A_322 = arith.constant 0 : i32
      %ne3A_323 = arith.cmpi ne, %rem3A_321, %ne3A_322 : i32
      %and3A_324 = arith.andi %ne3A_320, %ne3A_323 : i1
      %sub3A_325 = arith.constant 1 : i32
      %sub3A_326 = arith.subi %div3A_305, %sub3A_325 : i32
      %select_n3A_327 = arith.select %and3A_324, %sub3A_326, %div3A_305 : i32
      %jit3A_328 = arith.constant 2 : i32
      %eq3A_329 = arith.constant 0 : i32
      %eq3A_330 = arith.cmpi eq, %jit3A_328, %eq3A_329 : i32
      %jit3A_331 = arith.constant 1 : i32
      %select_n3A_332 = arith.select %eq3A_330, %jit3A_331, %jit3A_328 : i32
      %rem3A_333 = arith.remsi %add3A_297, %select_n3A_332 : i32
      %ne3A_334 = arith.constant 0 : i32
      %ne3A_335 = arith.cmpi ne, %rem3A_333, %ne3A_334 : i32
      %lt3A_336 = arith.constant 0 : i32
      %lt3A_337 = arith.cmpi slt, %rem3A_333, %lt3A_336 : i32
      %lt3A_338 = arith.constant 0 : i32
      %lt3A_339 = arith.cmpi slt, %select_n3A_332, %lt3A_338 : i32
      %ne3A_340 = arith.xori %lt3A_337, %lt3A_339 : i1
      %and3A_341 = arith.andi %ne3A_340, %ne3A_335 : i1
      %add3A_342 = arith.addi %rem3A_333, %select_n3A_332 : i32
      %select_n3A_343 = arith.select %and3A_341, %add3A_342, %rem3A_333 : i32
      %dma_start3A_344 = arith.constant 0 : i32
      %dma_start3A_345 = tpu.memref_slice %arg4[%select_n3A_327, %mul3A_2, %select_n3A_343, %dma_start3A_344] : memref<25x4096x2x64xbf16, #tpu.memory_space<hbm>> -> memref<1x128x1x64xbf16, #tpu.memory_space<hbm>>
      %dma_start3A_346 = tpu.memref_squeeze %dma_start3A_345 : memref<1x128x1x64xbf16, #tpu.memory_space<hbm>> -> memref<128x64xbf16, #tpu.memory_space<hbm>>
      %dma_start3A_347 = arith.constant 0 : i32
      %dma_start3A_348 = tpu.memref_slice %arg4[%select_n3A_327, %mul3A_2, %select_n3A_343, %dma_start3A_347] : memref<25x4096x2x64xbf16, #tpu.memory_space<hbm>> -> memref<1x128x1x64xbf16, #tpu.memory_space<hbm>>
      %dma_start3A_349 = tpu.memref_squeeze %dma_start3A_348 : memref<1x128x1x64xbf16, #tpu.memory_space<hbm>> -> memref<128x64xbf16, #tpu.memory_space<hbm>>
      tpu.enqueue_dma source(%arg10 : memref<128x64xbf16, #tpu.memory_space<vmem>>) target(%dma_start3A_349 : memref<128x64xbf16, #tpu.memory_space<hbm>>) target_semaphore(%arg20 : memref<!tpu.dma_semaphore, #tpu.memory_space<semaphore_mem>>)
      %ge3A_350 = arith.constant 2 : i32
      %ge3A_351 = arith.cmpi sge, %add3A_297, %ge3A_350 : i32
      %convert_element_type3A_352 = arith.extui %ge3A_351 : i1 to i32
      %cond3A_353 = arith.constant 0 : i32
      %cond3A_354 = arith.cmpi ne, %convert_element_type3A_352, %cond3A_353 : i32
      scf.if %cond3A_354 {
        %sub3A_362 = arith.constant 2 : i32
        %sub3A_363 = arith.subi %add3A_297, %sub3A_362 : i32
        %jit3A_364 = arith.constant 2 : i32
        %div3A_365 = arith.divsi %sub3A_363, %jit3A_364 : i32
        %sign3A_366 = arith.constant 0 : i32
        %sign3A_367 = arith.cmpi sgt, %sub3A_363, %sign3A_366 : i32
        %sign3A_368 = arith.extui %sign3A_367 : i1 to i32
        %sign3A_369 = arith.constant 0 : i32
        %sign3A_370 = arith.cmpi slt, %sub3A_363, %sign3A_369 : i32
        %sign3A_371 = arith.extui %sign3A_370 : i1 to i32
        %sign3A_372 = arith.subi %sign3A_368, %sign3A_371 : i32
        %sign3A_373 = arith.constant 0 : i32
        %sign3A_374 = arith.cmpi sgt, %jit3A_364, %sign3A_373 : i32
        %sign3A_375 = arith.extui %sign3A_374 : i1 to i32
        %sign3A_376 = arith.constant 0 : i32
        %sign3A_377 = arith.cmpi slt, %jit3A_364, %sign3A_376 : i32
        %sign3A_378 = arith.extui %sign3A_377 : i1 to i32
        %sign3A_379 = arith.subi %sign3A_375, %sign3A_378 : i32
        %ne3A_380 = arith.cmpi ne, %sign3A_372, %sign3A_379 : i32
        %rem3A_381 = arith.remsi %sub3A_363, %jit3A_364 : i32
        %ne3A_382 = arith.constant 0 : i32
        %ne3A_383 = arith.cmpi ne, %rem3A_381, %ne3A_382 : i32
        %and3A_384 = arith.andi %ne3A_380, %ne3A_383 : i1
        %sub3A_385 = arith.constant 1 : i32
        %sub3A_386 = arith.subi %div3A_365, %sub3A_385 : i32
        %select_n3A_387 = arith.select %and3A_384, %sub3A_386, %div3A_365 : i32
        %jit3A_388 = arith.constant 2 : i32
        %eq3A_389 = arith.constant 0 : i32
        %eq3A_390 = arith.cmpi eq, %jit3A_388, %eq3A_389 : i32
        %jit3A_391 = arith.constant 1 : i32
        %select_n3A_392 = arith.select %eq3A_390, %jit3A_391, %jit3A_388 : i32
        %rem3A_393 = arith.remsi %sub3A_363, %select_n3A_392 : i32
        %ne3A_394 = arith.constant 0 : i32
        %ne3A_395 = arith.cmpi ne, %rem3A_393, %ne3A_394 : i32
        %lt3A_396 = arith.constant 0 : i32
        %lt3A_397 = arith.cmpi slt, %rem3A_393, %lt3A_396 : i32
        %lt3A_398 = arith.constant 0 : i32
        %lt3A_399 = arith.cmpi slt, %select_n3A_392, %lt3A_398 : i32
        %ne3A_400 = arith.xori %lt3A_397, %lt3A_399 : i1
        %and3A_401 = arith.andi %ne3A_400, %ne3A_395 : i1
        %add3A_402 = arith.addi %rem3A_393, %select_n3A_392 : i32
        %select_n3A_403 = arith.select %and3A_401, %add3A_402, %rem3A_393 : i32
        %dma_wait3A_404 = arith.constant 0 : i32
        %dma_wait3A_405 = tpu.memref_slice %arg4[%select_n3A_387, %mul3A_2, %select_n3A_403, %dma_wait3A_404] : memref<25x4096x2x64xbf16, #tpu.memory_space<hbm>> -> memref<1x128x1x64xbf16, #tpu.memory_space<hbm>>
        %dma_wait3A_406 = tpu.memref_squeeze %dma_wait3A_405 : memref<1x128x1x64xbf16, #tpu.memory_space<hbm>> -> memref<128x64xbf16, #tpu.memory_space<hbm>>
        %dma_wait3A_407 = arith.constant 0 : i32
        %dma_wait3A_408 = tpu.memref_slice %arg4[%select_n3A_387, %mul3A_2, %select_n3A_403, %dma_wait3A_407] : memref<25x4096x2x64xbf16, #tpu.memory_space<hbm>> -> memref<1x128x1x64xbf16, #tpu.memory_space<hbm>>
        %dma_wait3A_409 = tpu.memref_squeeze %dma_wait3A_408 : memref<1x128x1x64xbf16, #tpu.memory_space<hbm>> -> memref<128x64xbf16, #tpu.memory_space<hbm>>
        tpu.wait_dma2 semaphore(%arg18 : memref<!tpu.dma_semaphore, #tpu.memory_space<semaphore_mem>>) src(%arg8 : memref<128x64xbf16, #tpu.memory_space<vmem>>) dst(%dma_wait3A_409 : memref<128x64xbf16, #tpu.memory_space<hbm>>)
      } else {
      }
      %add3A_355 = arith.constant 3 : i32
      %add3A_356 = arith.addi %add3A_297, %add3A_355 : i32
      %lt3A_357 = arith.constant 50 : i32
      %lt3A_358 = arith.cmpi slt, %add3A_356, %lt3A_357 : i32
      %convert_element_type3A_359 = arith.extui %lt3A_358 : i1 to i32
      %cond3A_360 = arith.constant 0 : i32
      %cond3A_361 = arith.cmpi ne, %convert_element_type3A_359, %cond3A_360 : i32
      scf.if %cond3A_361 {
        %add3A_362 = arith.constant 3 : i32
        %add3A_363 = arith.addi %add3A_297, %add3A_362 : i32
        %dma_start3A_364 = arith.constant 0 : i32
        %dma_start3A_365 = tpu.memref_slice %arg5[%add3A_363, %dma_start3A_364] : memref<50x128xi32, #tpu.memory_space<vmem>> -> memref<1x128xi32, #tpu.memory_space<vmem>>
        %dma_start3A_366 = tpu.memref_squeeze %dma_start3A_365 : memref<1x128xi32, #tpu.memory_space<vmem>> -> memref<128xi32, #tpu.memory_space<vmem>>
        %dma_start3A_367 = arith.constant 0 : i32
        %dma_start3A_368 = arith.constant 0 : i32
        %dma_start3A_369 = tpu.memref_slice %arg2[%dma_start3A_367, %dma_start3A_368] : memref<102400x64xbf16, #tpu.memory_space<hbm>> -> memref<102400x64xbf16, #tpu.memory_space<hbm>>
        tpu.enqueue_indirect_dma source(%dma_start3A_369 : memref<102400x64xbf16, #tpu.memory_space<hbm>>) target(%arg8 : memref<128x64xbf16, #tpu.memory_space<vmem>>) offsets(%dma_start3A_366 : memref<128xi32, #tpu.memory_space<vmem>>) semaphore(%arg13 : memref<!tpu.dma_semaphore, #tpu.memory_space<semaphore_mem>>)
      } else {
      }
    }
    %scan3A_26 = arith.constant 10 : i32
    %dma_wait3A = arith.constant 24 : i32
    %dma_wait3A_27 = arith.constant 0 : i32
    %dma_wait3A_28 = arith.constant 0 : i32
    %dma_wait3A_29 = tpu.memref_slice %arg4[%dma_wait3A, %mul3A_2, %dma_wait3A_27, %dma_wait3A_28] : memref<25x4096x2x64xbf16, #tpu.memory_space<hbm>> -> memref<1x128x1x64xbf16, #tpu.memory_space<hbm>>
    %dma_wait3A_30 = tpu.memref_squeeze %dma_wait3A_29 : memref<1x128x1x64xbf16, #tpu.memory_space<hbm>> -> memref<128x64xbf16, #tpu.memory_space<hbm>>
    %dma_wait3A_31 = arith.constant 0 : i32
    %dma_wait3A_32 = tpu.memref_slice %arg4[%dma_wait3A, %mul3A_2, %dma_wait3A_27, %dma_wait3A_31] : memref<25x4096x2x64xbf16, #tpu.memory_space<hbm>> -> memref<1x128x1x64xbf16, #tpu.memory_space<hbm>>
    %dma_wait3A_33 = tpu.memref_squeeze %dma_wait3A_32 : memref<1x128x1x64xbf16, #tpu.memory_space<hbm>> -> memref<128x64xbf16, #tpu.memory_space<hbm>>
    tpu.wait_dma2 semaphore(%arg19 : memref<!tpu.dma_semaphore, #tpu.memory_space<semaphore_mem>>) src(%arg9 : memref<128x64xbf16, #tpu.memory_space<vmem>>) dst(%dma_wait3A_33 : memref<128x64xbf16, #tpu.memory_space<hbm>>)
    %dma_wait3A_34 = arith.constant 24 : i32
    %dma_wait3A_35 = arith.constant 1 : i32
    %dma_wait3A_36 = arith.constant 0 : i32
    %dma_wait3A_37 = tpu.memref_slice %arg4[%dma_wait3A_34, %mul3A_2, %dma_wait3A_35, %dma_wait3A_36] : memref<25x4096x2x64xbf16, #tpu.memory_space<hbm>> -> memref<1x128x1x64xbf16, #tpu.memory_space<hbm>>
    %dma_wait3A_38 = tpu.memref_squeeze %dma_wait3A_37 : memref<1x128x1x64xbf16, #tpu.memory_space<hbm>> -> memref<128x64xbf16, #tpu.memory_space<hbm>>
    %dma_wait3A_39 = arith.constant 0 : i32
    %dma_wait3A_40 = tpu.memref_slice %arg4[%dma_wait3A_34, %mul3A_2, %dma_wait3A_35, %dma_wait3A_39] : memref<25x4096x2x64xbf16, #tpu.memory_space<hbm>> -> memref<1x128x1x64xbf16, #tpu.memory_space<hbm>>
    %dma_wait3A_41 = tpu.memref_squeeze %dma_wait3A_40 : memref<1x128x1x64xbf16, #tpu.memory_space<hbm>> -> memref<128x64xbf16, #tpu.memory_space<hbm>>
    tpu.wait_dma2 semaphore(%arg20 : memref<!tpu.dma_semaphore, #tpu.memory_space<semaphore_mem>>) src(%arg10 : memref<128x64xbf16, #tpu.memory_space<vmem>>) dst(%dma_wait3A_41 : memref<128x64xbf16, #tpu.memory_space<hbm>>)
    return
  }
}

module attributes {stable_mosaic.version = 14 : i64} {
  func.func @_merge_body(%arg0: i32, %arg1: memref<64x4096xf32, #tpu.memory_space<vmem>>, %arg2: memref<8x4096xf32, #tpu.memory_space<vmem>>, %arg3: memref<72x64xf32, #tpu.memory_space<vmem>>, %arg4: memref<2048x128xbf16, #tpu.memory_space<vmem>>) attributes {dimension_semantics = [#tpu.dimension_semantics<arbitrary>], iteration_bounds = array<i64: 25>, scalar_prefetch = 0 : i64, scratch_operands = 0 : i64, tpu.core_type = #tpu.core_type<tc>, window_params = [{transform_indices = @transform_0, window_bounds = array<i64: 64, 4096>}, {transform_indices = @transform_1, window_bounds = array<i64: 8, 4096>}, {pipeline_mode = #tpu.pipeline_mode<synchronous>, transform_indices = @transform_2, window_bounds = array<i64: 72, 64>}, {transform_indices = @transform_3, window_bounds = array<i64: 2048, 128>}]} {
    %get3A = arith.constant 0 : index
    %get3A_0 = arith.constant 0 : index
    %get3A_1 = vector.load %arg1[%get3A, %get3A_0] : memref<64x4096xf32, #tpu.memory_space<vmem>>, vector<64x4096xf32>
    %get3A_2 = arith.constant 0 : index
    %get3A_3 = arith.constant 0 : index
    %get3A_4 = vector.load %arg2[%get3A_2, %get3A_3] : memref<8x4096xf32, #tpu.memory_space<vmem>>, vector<8x4096xf32>
    %concatenate3A = tpu.concatenate %get3A_1, %get3A_4 in 0 : vector<64x4096xf32>, vector<8x4096xf32> -> vector<72x4096xf32>
    %get3A_5 = arith.constant 0 : index
    %get3A_6 = arith.constant 0 : index
    %get3A_7 = vector.load %arg3[%get3A_5, %get3A_6] : memref<72x64xf32, #tpu.memory_space<vmem>>, vector<72x64xf32>
    %dot_general3A = arith.constant dense<0.000000e+00> : vector<4096x64xf32>
    %dot_general3A_8 = tpu.matmul %concatenate3A, %get3A_7, %dot_general3A {dimension_numbers = #tpu.dot_dimension_numbers<[0], [0], [1], [1], [0, 1, 1, 1], [], []>, transpose_lhs_hint = false} : vector<72x4096xf32>, vector<72x64xf32>, vector<4096x64xf32> -> vector<4096x64xf32>
    %slice3A = vector.extract_strided_slice %dot_general3A_8 {offsets = [0, 0], sizes = [2048, 64], strides = [1, 1]} : vector<4096x64xf32> to vector<2048x64xf32>
    %convert_element_type3A = arith.truncf %slice3A : vector<2048x64xf32> to vector<2048x64xbf16>
    %swap3A = arith.constant 0 : index
    %swap3A_9 = arith.constant 0 : index
    %swap3A_10 = vector.load %arg4[%swap3A, %swap3A_9] : memref<2048x128xbf16, #tpu.memory_space<vmem>>, vector<2048x64xbf16>
    tpu.vector_store %arg4[%swap3A, %swap3A_9], %convert_element_type3A {strides = array<i32>} : memref<2048x128xbf16, #tpu.memory_space<vmem>>, vector<2048x64xbf16>,
    %slice3A_11 = vector.extract_strided_slice %dot_general3A_8 {offsets = [2048, 0], sizes = [2048, 64], strides = [1, 1]} : vector<4096x64xf32> to vector<2048x64xf32>
    %convert_element_type3A_12 = arith.truncf %slice3A_11 : vector<2048x64xf32> to vector<2048x64xbf16>
    %swap3A_13 = arith.constant 0 : index
    %swap3A_14 = arith.constant 64 : index
    %swap3A_15 = vector.load %arg4[%swap3A_13, %swap3A_14] : memref<2048x128xbf16, #tpu.memory_space<vmem>>, vector<2048x64xbf16>
    tpu.vector_store %arg4[%swap3A_13, %swap3A_14], %convert_element_type3A_12 {strides = array<i32>} : memref<2048x128xbf16, #tpu.memory_space<vmem>>, vector<2048x64xbf16>,
    return
  }
  func.func @transform_0(%arg0: i32) -> (i32, i32) {
    %c0_i32 = arith.constant 0 : i32
    %c0_i32_0 = arith.constant 0 : i32
    return %c0_i32, %arg0 : i32, i32
  }
  func.func @transform_1(%arg0: i32) -> (i32, i32) {
    %c0_i32 = arith.constant 0 : i32
    %c0_i32_0 = arith.constant 0 : i32
    return %c0_i32, %arg0 : i32, i32
  }
  func.func @transform_2(%arg0: i32) -> (i32, i32) {
    %c0_i32 = arith.constant 0 : i32
    %c0_i32_0 = arith.constant 0 : i32
    %c0_i32_1 = arith.constant 0 : i32
    return %c0_i32, %c0_i32_0 : i32, i32
  }
  func.func @transform_3(%arg0: i32) -> (i32, i32) {
    %c0_i32 = arith.constant 0 : i32
    %c0_i32_0 = arith.constant 0 : i32
    return %arg0, %c0_i32 : i32, i32
  }
}

module attributes {stable_mosaic.version = 14 : i64} {
  func.func @_transpose_body(%arg0: i32, %arg1: memref<4096x128xbf16, #tpu.memory_space<vmem>>, %arg2: memref<2x64x4096xf32, #tpu.memory_space<vmem>>) attributes {dimension_semantics = [#tpu.dimension_semantics<arbitrary>], iteration_bounds = array<i64: 25>, scalar_prefetch = 0 : i64, scratch_operands = 0 : i64, tpu.core_type = #tpu.core_type<tc>, window_params = [{transform_indices = @transform_0, window_bounds = array<i64: 4096, 128>}, {transform_indices = @transform_1, window_bounds = array<i64: 2, 64, 4096>}]} {
    %get3A = arith.constant 0 : index
    %get3A_0 = arith.constant 0 : index
    %get3A_1 = vector.load %arg1[%get3A, %get3A_0] : memref<4096x128xbf16, #tpu.memory_space<vmem>>, vector<4096x128xbf16>
    %convert_element_type3A = arith.extf %get3A_1 : vector<4096x128xbf16> to vector<4096x128xf32>
    %transpose3A = tpu.transpose %convert_element_type3A, [1, 0] : vector<4096x128xf32> -> vector<128x4096xf32>
    %reshape3A = vector.shape_cast %transpose3A : vector<128x4096xf32> to vector<2x64x4096xf32>
    %swap3A = arith.constant 0 : index
    %swap3A_2 = arith.constant 0 : index
    %swap3A_3 = arith.constant 0 : index
    %swap3A_4 = vector.load %arg2[%swap3A, %swap3A_2, %swap3A_3] : memref<2x64x4096xf32, #tpu.memory_space<vmem>>, vector<2x64x4096xf32>
    tpu.vector_store %arg2[%swap3A, %swap3A_2, %swap3A_3], %reshape3A {strides = array<i32>} : memref<2x64x4096xf32, #tpu.memory_space<vmem>>, vector<2x64x4096xf32>,
    return
  }
  func.func @transform_0(%arg0: i32) -> (i32, i32) {
    %c0_i32 = arith.constant 0 : i32
    %c0_i32_0 = arith.constant 0 : i32
    return %arg0, %c0_i32 : i32, i32
  }
  func.func @transform_1(%arg0: i32) -> (i32, i32, i32) {
    %c0_i32 = arith.constant 0 : i32
    %c0_i32_0 = arith.constant 0 : i32
    %c0_i32_1 = arith.constant 0 : i32
    return %arg0, %c0_i32, %c0_i32_0 : i32, i32, i32
  }
}

</mosaic_0001>

<sc_bundles>
// kernel: kernel.5.cloned.1.call-start
scs
__scs_entry_jumppad:
0x0: {  	(pc) =	sbr.rel $0x88, $3  }
0x1: {  	(tag) =	ssettag $0x0;
	lr =	simm.s32 $0x1  }
0x2: {  	[smem:$0x3F9D] =	sst lr;
	_ =	strace $0xD0000000  }
0x3: {  	_ = 	snop  }
0x4: {  	_ = 	snop  }
0x5: {  	_ = 	snop  }
0x6: {  	_ = 	snop  }
0x7: {  	_ = 	snop  }
__scs_overlays_trampoline_lowered:
0x8: {  	[smem:$0x3FAC] =	sst s0  }
0x9: {  	[smem:$0x3FAD] =	sst s1  }
0xa: {  	[smem:$0x3FAE] =	sst s2  }
0xb: {  	[smem:$0x3FAF] =	sst s3  }
0xc: {  	[smem:$0x3FB0] =	sst s4  }
0xd: {  	[smem:$0x3FB1] =	sst s5  }
0xe: {  	[smem:$0x3FB2] =	sst s6  }
0xf: {  	[smem:$0x3FB3] =	sst s7  }
0x10: {  	[smem:$0x3FB4] =	sst s8  }
0x11: {  	[smem:$0x3FB5] =	sst s9;
	s0 =	simm.s32 @!p0 $0x0  }
0x12: {  	s1 =	sld [smem:$0x3F9B];
	s0 =	simm.s32 @p0 $0x1  }
0x13: {  	[smem:$0x3FB6] =	sst s0;
	s0 =	simm.s32 @!p1 $0x0  }
0x14: {  	s2 =	sld [smem:$0x3F9A];
	s0 =	simm.s32 @p1 $0x1  }
0x15: {  	[smem:$0x3FB7] =	sst s0;
	s0 =	simm.s32 @!p2 $0x0  }
0x16: {  	s3 =	sld [smem:$0x3FDB];
	s0 =	simm.s32 @p2 $0x1  }
0x17: {  	s4 =	simm.s32 $0x1BF5;
	[smem:$0x3FB9] =	sst s0  }
0x18: {  	s0 =	sld [smem:$0x3F9C];
	_ =	swait.ge [sflag:s4], $0x0  }
0x19: {  	s7 =	sld [smem:$0x3F9D]  }
0x1a: {  	s8 =	sadd.s32 $0xFFFFE003, lr  }
0x1b: {  	s9 =	sadd.s32 $0xFFFFFEF7, lr;
	s5 =	simm.s32 $0xFFFFFFFF;
	p2 =	slt.u32 s8, $0xFFFFF086  }
0x1c: {  	p1 =	slt.u32 s9, $0xF7A;
	s5 =	simm.s32 @!p2 $0x0  }
0x1d: {  	s5 =	simm.s32 @p1 $0x1;
	p0 =	seq.s32 s7, s2  }
0x1e: {  	s7 =	smul.u32 @!p0 $0xF7A, s2;
	p2 =	seq.s32 @!p0 s5, $0x0  }
0x1f: {  	s9 =	smul.u32 $0xF7A, s1;
	s8 =	simm.s32 @!p0 $0x1BF5;
	p2 =	por !p2, p0  }
0x20: {  	[sflag:s8] =	ssyncset.s32 @!p0 $0xFFFFF086;
	s6 =	sadd.s32 @!p0 s3, s7;
	s7 =	simm.s32 @!p0 $0x108  }
0x21: {  	s3 =	sadd.s32 s3, s9;
	s6 =	sadd.s32 @!p0 $0x88, s6;
	s7 =	simm.s32 @p2 $0x1082  }
0x22: {  	[simem:s7], [sflag:s8] =	dma.local @!p0 [hbm:s6], $0xF7A  }
0x23: {  	s9 =	sor.u32 $0xD0000000, s2;
	s6 =	simm.s32 $0x108;
	_ =	swait.ge @!p0 [sflag:s8], $0x0  }
0x24: {  	s3 =	sadd.s32 $0x88, s3;
	s6 =	simm.s32 @!p1 $0x1082;
	[sflag:s4] =	ssyncset.s32 $0xFFFFF086  }
0x25: {  	[simem:s6], [sflag:s4] =	dma.local [hbm:s3], $0xF7A  }
0x26: {  	[smem:$0x3F9D] =	sst s1;
	(tag) =	ssettag s2;
	_ =	strace s9  }
0x27: {  	s1 =	sld [smem:$0x3FAD]  }
0x28: {  	s2 =	sld [smem:$0x3FAE]  }
0x29: {  	s4 =	sld [smem:$0x3FB0]  }
0x2a: {  	p0 =	seq.s32 s5, $0x0;
	s5 =	sld [smem:$0x3FB1]  }
0x2b: {  	s6 =	sld [smem:$0x3FB2]  }
0x2c: {  	s7 =	sld [smem:$0x3FB3]  }
0x2d: {  	s3 =	simm.s32 $0x108;
	s8 =	sld [smem:$0x3FB4]  }
0x2e: {  	s3 =	simm.s32 @!p0 $0x1082;
	s9 =	sld [smem:$0x3FB5]  }
0x2f: {  	lr =	sadd.s32 s0, s3;
	s0 =	sld [smem:$0x3FAC]  }
0x30: {  	s3 =	sld [smem:$0x3FAF]  }
0x31: {  	[smem:$0x3FB8] =	sst s10  }
0x32: {  	s10 =	sld [smem:$0x3FB6];
	_ =	sdelay $0x3  }
0x33: {  	p0 =	seq.s32 s10, $0x1;
	s10 =	sld [smem:$0x3FB8];
	_ =	sdelay $0x3  }
0x34: {  	[smem:$0x3FB8] =	sst s10  }
0x35: {  	s10 =	sld [smem:$0x3FB7];
	_ =	sdelay $0x3  }
0x36: {  	p1 =	seq.s32 s10, $0x1;
	s10 =	sld [smem:$0x3FB8];
	_ =	sdelay $0x3  }
0x37: {  	[smem:$0x3FB8] =	sst s10  }
0x38: {  	s10 =	sld [smem:$0x3FB9]  }
0x39: {  	_ = 	snop;
	(pc) =	sbr.ind lr, $3  }
0x3a: {  	_ = 	snop  }
0x3b: {  	_ = 	snop  }
0x3c: {  	p2 =	seq.s32 s10, $0x1;
	s10 =	sld [smem:$0x3FB8]  }
0x3d: {  	_ =	shalt  }
0x3e: {  	_ =	shalt  }
0x3f: {  	_ =	shalt  }
0x40: {  	_ =	shalt  }
0x41: {  	_ =	shalt  }
0x42: {  	_ =	shalt  }
0x43: {  	_ =	shalt  }
0x44: {  	_ =	shalt  }
0x45: {  	_ =	shalt  }
0x46: {  	_ =	shalt  }
0x47: {  	_ =	shalt  }
0x48: {  	_ =	shalt  }
0x49: {  	_ =	shalt  }
0x4a: {  	_ =	shalt  }
0x4b: {  	_ =	shalt  }
0x4c: {  	_ =	shalt  }
0x4d: {  	_ =	shalt  }
0x4e: {  	_ =	shalt  }
0x4f: {  	_ =	shalt  }
0x50: {  	_ =	shalt  }
0x51: {  	_ =	shalt  }
0x52: {  	_ =	shalt  }
0x53: {  	_ =	shalt  }
0x54: {  	_ =	shalt  }
0x55: {  	_ =	shalt  }
0x56: {  	_ =	shalt  }
0x57: {  	_ =	shalt  }
0x58: {  	_ =	shalt  }
0x59: {  	_ =	shalt  }
0x5a: {  	_ =	shalt  }
0x5b: {  	_ =	shalt  }
0x5c: {  	_ =	shalt  }
0x5d: {  	_ =	shalt  }
0x5e: {  	_ =	shalt  }
0x5f: {  	_ =	shalt  }
0x60: {  	_ =	shalt  }
0x61: {  	_ =	shalt  }
0x62: {  	_ =	shalt  }
0x63: {  	_ =	shalt  }
0x64: {  	_ =	shalt  }
0x65: {  	_ =	shalt  }
0x66: {  	_ =	shalt  }
0x67: {  	_ =	shalt  }
0x68: {  	_ =	shalt  }
0x69: {  	_ =	shalt  }
0x6a: {  	_ =	shalt  }
0x6b: {  	_ =	shalt  }
0x6c: {  	_ =	shalt  }
0x6d: {  	_ =	shalt  }
0x6e: {  	_ =	shalt  }
0x6f: {  	_ =	shalt  }
0x70: {  	_ =	shalt  }
0x71: {  	_ =	shalt  }
0x72: {  	_ =	shalt  }
0x73: {  	_ =	shalt  }
0x74: {  	_ =	shalt  }
0x75: {  	_ =	shalt  }
0x76: {  	_ =	shalt  }
0x77: {  	_ =	shalt  }
0x78: {  	_ =	shalt  }
0x79: {  	_ =	shalt  }
0x7a: {  	_ =	shalt  }
0x7b: {  	_ =	shalt  }
0x7c: {  	_ =	shalt  }
0x7d: {  	_ =	shalt  }
0x7e: {  	_ =	shalt  }
0x7f: {  	_ =	shalt  }
0x80: {  	_ =	shalt  }
0x81: {  	_ =	shalt  }
0x82: {  	_ =	shalt  }
0x83: {  	_ =	shalt  }
0x84: {  	_ =	shalt  }
0x85: {  	_ =	shalt  }
0x86: {  	_ =	shalt  }
0x87: {  	_ =	shalt  }
.Lfunc_end0:
.L_simem_size_0:
called_computation_lowered:
.L_overlay_start_0:
0x88: {  	s2 =	sld [smem:$0x3FD9]  }
0x89: {  	s3 =	sld [smem:$0x3FFE];
	_ =	sdelay $0x1  }
0x8a: {  	s1 =	srdreg.scid  }
0x8b: {  	s0 =	sand.u32 $0x1, s1  }
0x8c: {  	s17 =	sshll.u32 s0, $0xA;
	s2 =	sadd.s32 s3, s2  }
0x8d: {  	s2 =	sadd.s32 s2, s17  }
0x8e: {  	[smem:$0x3FC4] =	sst s2  }
0x8f: {  	_ = 	snop  }
0x90: {  	s2 =	sld [smem:$0x3FD0];
	(tm) =	ssettm $0x1  }
0x91: {  	s18 =	sld [smem:$0x3FFB];
	_ =	sdelay $0x3  }
0x92: {  	_ =	strace s18  }
0x93: {  	s3 =	sld [smem:$0x3FFC];
	_ =	sdelay $0x3  }
0x94: {  	_ =	strace s3  }
0x95: {  	s3 =	sld [smem:$0x3FFD];
	_ =	sdelay $0x3  }
0x96: {  	_ =	strace s3  }
0x97: {  	_ =	strace $0x8FFFFFFF  }
0x98: {  	s19 =	sld [smem:$0x3FDB];
	_ =	sdelay $0x1  }
0x99: {  	s4 =	simm.s32 $_scs_section_size  }
0x9a: {  	s5 =	simm.s32 $_size__tile_overlayer_lowered;
	s6 =	simm.s32 $_tile_overlayer_lowered  }
0x9b: {  	s22 =	simm.s32 $0x1BFF;
	s21 =	sshll.u32 s6, $0x1;
	s3 =	sadd.s32 s4, s19  }
0x9c: {  	s7 =	simm.s32 $0x0;
	s20 =	sshll.u32 s5, $0x1;
	s5 =	sadd.s32 s21, s3  }
0x9d: {  	[timem:s7], [sflag:s22] =	dma.local [hbm:s5], s20  }
0x9e: {  	_ =	swait.ge [sflag:s22], s20  }
0x9f: {  	s4 =	ssub.s32 $0x0, s20;
	[sflag:s22] =	ssyncset.done $0x0  }
0xa0: {  	[sflag:s22] =	ssyncadd.s32 s4;
	_ =	sdelay $0x1  }
0xa1: {  	s23 =	simm.s32 $0x1B8B  }
0xa2: {  	_ =	swait.ge [sflag:s23], $0x1  }
0xa3: {  	[sflag:s23] =	ssyncset.done $0x0  }
0xa4: {  	s25 =	simm.s32 $0x1B8E;
	s24 =	sld [smem:$0x3FFE];
	[sflag:s23] =	ssyncadd.s32 $0xFFFFFFFF  }
0xa5: {  	s26 =	simm.s32 $execute0_lowered;
	[smem:$0x3FD2] =	sst s25  }
0xa6: {  	s5 =	sshll.u32 s26, $0x1;
	_ =	strace $0x80000046;
	[dreg:$0x1] =	wrdreg $0xFFFFFFFF  }
0xa7: {  	s28 =	simm.s32 $_size_execute0_lowered;
	s3 =	sadd.s32 s3, s5;
	[dreg:$0x0] =	wrdreg $0x0  }
0xa8: {  	s5 =	sshll.u32 s28, $0x1;
	[dreg:$0x2] =	wrdreg s3  }
0xa9: {  	[dreg:$0x3] =	wrdreg s5  }
0xaa: {  	[dreg:$0x4] =	wrdreg $0xC0  }
0xab: {  	_ =	task [dreg:s7], $0x5FFFF  }
0xac: {  	[dreg:$0x1] =	wrdreg $0xFFFFFFFF  }
0xad: {  	[dreg:$0x0] =	wrdreg $0x60  }
0xae: {  	[dreg:$0x2] =	wrdreg s24  }
0xaf: {  	[dreg:$0x3] =	wrdreg s2  }
0xb0: {  	[dreg:$0x4] =	wrdreg $0x9  }
0xb1: {  	_ =	task.clear_ibuf [dreg:s7], $0x5FFFF;
	_ =	strace $0x90000046  }
0xb2: {  	s29 =	simm.s32 $0x9;
	_ =	strace $0x80000048  }
0xb3: {  	_ =	swait.ge [sflag:s29], $0x1  }
0xb4: {  	[sflag:s29] =	ssyncadd.s32 $0xFFFFFFFF  }
0xb5: {  	_ =	strace $0x90000048  }
0xb6: {  	_ =	sfence  }
0xb7: {  	s30 =	sld [smem:$0x0];
	_ =	sdelay $0x2  }
0xb8: {  	s31 =	sshll.u32 s1, $0xD;
	s1 =	sshrl.u32 s1, $0x2  }
0xb9: {  	s3 =	sand.u32 $0x4000, s31;
	s1 =	sadd.s32 s1, s30  }
0xba: {  	s0 =	sor.u32 s3, s0;
	s1 =	sshll.u32 s1, $0x11  }
0xbb: {  	s0 =	sor.u32 s1, s0  }
0xbc: {  	s0 =	sadd.s32 $0x8F2B, s0  }
0xbd: {  	[sflag:s0] =	ssyncadd.remote.s32 $0x1  }
0xbe: {  	_ =	sfence.sel $0xFFFF  }
0xbf: {  	[dreg:$0x0] =	wrdreg $0xFFFFFFFF;
	(pc) =	sbr.abs _section_cstart, $3  }
0xc0: {  	[dreg:$0x1] =	wrdreg $0xFFFFFFFF  }
0xc1: {  	_ =	task.clear_ibuf [dreg:s7], $0x2FFFF;
	_ =	strace $0x9FFFFFFF  }
0xc2: {  	(tm) =	ssettm $0x7FFFFFFF  }
0xc3: {  	_ =	shalt  }
tec
execute0_lowered:
.L_overlay_start_1:
0x0: {  	(tag) =	ssettag $0x1  }
0x1: {  	s0 =	srdreg.scid;
	s1 =	rddreg [dreg:$0x0]  }
0x2: {  	s3 =	stileid.u32;
	s2 =	rddreg [dreg:$0x1]  }
0x3: {  	s25 =	simm.s32 $0x0;
	s8 =	simm.s32 $0x80;
	s10 =	simm.s32 $0xB  }
0x4: {  	s11 =	simm.s32 $0x1900;
	s12 =	simm.s32 $0x2900;
	s14 =	simm.s32 $0x3900  }
0x5: {  	s15 =	simm.s32 $0x1;
	s16 =	simm.s32 $0x20;
	s17 =	simm.s32 $0x40  }
0x6: {  	s18 =	simm.s32 $0x4900;
	s19 =	simm.s32 $0x2;
	s20 =	simm.s32 $0x5900  }
0x7: {  	s21 =	simm.s32 $0x3;
	s22 =	simm.s32 $0x6;
	s23 =	simm.s32 $0x4  }
0x8: {  	s24 =	simm.s32 $0x7;
	s28 =	simm.s32 $0x9;
	s29 =	simm.s32 $0xA  }
0x9: {  	s30 =	simm.s32 $0x0;
	s0 =	sand.u32 $0x1, s0;
	s4 =	sshll.u32 s3, $0x8  }
0xa: {  	[smem:$0x7FF] =	sst s25;
	s5 =	sshll.u32 s0, $0x7;
	s0 =	ssub.s32 $0x2, s0  }
.Ltmp0:
0xb: {  	s6 =	sor.u32 s5, s4;
	s7 =	sshrl.u32 s0, $0x1;
	(pc) =	sbr.rel .LBB2_1-.Ltmp0, $4  }
0xc: {  	s25 =	simm.s32 $0x5;
	s4 =	sshrl.u32 s6, $0x3;
	s0 =	ssub.s32 s0, s7  }
0xd: {  	_ =	strace $0x80000047;
	s26 =	sadd.s32 s4, s1;
	s0 =	smax.u32 s0, $0x1  }
0xe: {  	s6 =	sshll.u32 s6, $0x7;
	s31 =	sadd.s32 $0x600, s26;
	[dreg:$0x4] =	wrdreg s0  }
0xf: {  	s4 =	sadd.s32 $0x6A00, s1;
	s26 =	simm.s32 $0x8;
	[dreg:$0x3] =	wrdreg s31  }
.LBB2_4:
0x10: {  	_ =	swait.ge [sflag:s28], $0x1000  }
0x11: {  	[sflag:s28] =	ssyncset.done $0x0  }
0x12: {  	[sflag:s28] =	ssyncadd.s32 $0xFFFFF000  }
0x13: {  	_ =	swait.ge [sflag:s29], $0x1000  }
0x14: {  	s30 =	sadd.s32 $0x1, s30;
	s0 =	rddreg [dreg:$0x4]  }
0x15: {  	p0 =	sne.s32 s30, s0  }
.Ltmp1:
0x16: {  	_ = 	snop;
	(pc) =	sbr.rel @!p0 .LBB2_5-.Ltmp1, $3  }
0x17: {  	_ =	sdelay $0x1  }
0x18: {  	[sflag:s29] =	ssyncset.done $0x0  }
0x19: {  	[sflag:s29] =	ssyncadd.s32 $0xFFFFF000  }
.LBB2_1:
0x1a: {  	s0 =	simm.s32 $0x0;
	s1 =	rddreg [dreg:$0x3];
	s3 =	simm.s32 $0x1000  }
0x1b: {  	[tilespmem:s0], [sflag:$0xB] =	stream.strided.gather [hbm4b:s1+s8], $0x1900, s3, s8, $0x38;
	[tilespmem:$0x6900] =	vst v63  }
0x1c: {  	_ =	swait.ge [sflag:s10], $0x1900  }
0x1d: {  	[sflag:s10] =	ssyncset.done $0x0  }
0x1e: {  	[sflag:s10] =	ssyncadd.s32 $0xFFFFE700  }
0x1f: {  	[tilespmem:s11], [sflag:$0x1] =	stream.indirect.gather [hbm4b:s4+s8], $0x20, s0, s8, $0xb8;
	[tilespmem:$0x6900] =	vst v63  }
0x20: {  	s13 =	simm.s32 $0x100;
	s31 =	simm.s32 $0x380  }
0x21: {  	[tilespmem:s12], [sflag:$0x2] =	stream.indirect.gather [hbm4b:s4+s8], $0x20, s8, s8, $0xb8;
	[tilespmem:$0x6900] =	vst v63  }
0x22: {  	s9 =	simm.s32 $0x0;
	s1 =	simm.s32 $0x100000;
	s0 =	simm.s32 $0xC0  }
0x23: {  	[tilespmem:s14], [sflag:$0x3] =	stream.indirect.gather [hbm4b:s4+s8], $0x20, s13, s8, $0xb8;
	[tilespmem:$0x6900] =	vst v63  }
.LBB2_2:
0x24: {  	s13 =	sadd.s32 $0xFFF00000, s1  }
0x25: {  	s3 =	sand.u32 $0x1F80000, s13  }
0x26: {  	s13 =	sand.u32 $0x40, s9;
	s3 =	sor.u32 s3, s6  }
0x27: {  	_ =	swait.ge [sflag:s15], $0x1000;
	s3 =	sor.u32 s13, s3  }
0x28: {  	[sflag:s15] =	ssyncset.done $0x0;
	s3 =	sshrl.u32 s3, $0x4  }
0x29: {  	p0 =	seq.s32 s1, $0x100000;
	[sflag:s15] =	ssyncadd.s32 $0xFFFFF000;
	s3 =	sadd.s32 s2, s3  }
0x2a: {  	[hbm4b:s3+s16] =	stream.strided.scatter [tilespmem:s11], [sflag:$0x6], $0x1000, s17, s16, $0x38;
	[tilespmem:$0x6900] =	vst v63  }
0x2b: {  	s3 =	simm.s32 @!p0 $0x9  }
0x2c: {  	_ =	swait.ge @!p0 [sflag:s3], $0x1000  }
0x2d: {  	[sflag:s3] =	ssyncset.done @!p0 $0x0  }
0x2e: {  	s5 =	sadd.s32 $0xFFFFFE00, s31;
	[sflag:s3] =	ssyncadd.s32 @!p0 $0xFFFFF000  }
0x2f: {  	[tilespmem:s18], [sflag:$0x4] =	stream.indirect.gather [hbm4b:s4+s8], $0x20, s5, s8, $0xb8;
	[tilespmem:$0x6900] =	vst v63  }
0x30: {  	s7 =	sadd.s32 $0xFFFFFF80, s0;
	s5 =	sadd.s32 $0xFFF40000, s1  }
0x31: {  	s3 =	sand.u32 $0x40, s7;
	s5 =	sand.u32 $0x3F80000, s5  }
0x32: {  	s3 =	sor.u32 s5, s3  }
0x33: {  	_ =	swait.ge [sflag:s19], $0x1000;
	s3 =	sor.u32 s6, s3  }
0x34: {  	[sflag:s19] =	ssyncset.done $0x0;
	s3 =	sshrl.u32 s3, $0x4  }
0x35: {  	[sflag:s19] =	ssyncadd.s32 $0xFFFFF000;
	s3 =	sadd.s32 s2, s3  }
0x36: {  	[hbm4b:s3+s16] =	stream.strided.scatter [tilespmem:s12], [sflag:$0x7], $0x1000, s17, s16, $0x38;
	[tilespmem:$0x6900] =	vst v63  }
0x37: {  	s3 =	simm.s32 @!p0 $0xA  }
0x38: {  	_ =	swait.ge @!p0 [sflag:s3], $0x1000  }
0x39: {  	s5 =	sadd.s32 $0xFFF80000, s1;
	[sflag:s3] =	ssyncset.done @!p0 $0x0  }
0x3a: {  	s7 =	sadd.s32 $0xFFFFFE80, s31;
	[sflag:s3] =	ssyncadd.s32 @!p0 $0xFFFFF000;
	s3 =	sand.u32 $0x3F80000, s5  }
0x3b: {  	[tilespmem:s20], [sflag:$0x5] =	stream.indirect.gather [hbm4b:s4+s8], $0x20, s7, s8, $0xb8;
	[tilespmem:$0x6900] =	vst v63  }
0x3c: {  	s3 =	sor.u32 s3, s6  }
0x3d: {  	_ =	swait.ge [sflag:s21], $0x1000;
	s3 =	sor.u32 s13, s3  }
0x3e: {  	[sflag:s21] =	ssyncset.done $0x0;
	s3 =	sshrl.u32 s3, $0x4  }
0x3f: {  	[sflag:s21] =	ssyncadd.s32 $0xFFFFF000;
	s3 =	sadd.s32 s2, s3  }
0x40: {  	[hbm4b:s3+s16] =	stream.strided.scatter [tilespmem:s14], [sflag:$0x8], $0x1000, s17, s16, $0x38;
	[tilespmem:$0x6900] =	vst v63  }
0x41: {  	p0 =	seq.s32 s1, $0xC40000;
	_ =	swait.ge [sflag:s22], $0x1000  }
0x42: {  	s5 =	simm.s32 @!p0 $0x80;
	[sflag:s22] =	ssyncset.done $0x0  }
0x43: {  	s7 =	simm.s32 @!p0 $0x1900;
	s3 =	sadd.s32 @!p0 $0xFFFFFF00, s31;
	[sflag:s22] =	ssyncadd.s32 $0xFFFFF000  }
0x44: {  	[tilespmem:s7], [sflag:$0x1] =	stream.indirect.gather @!p0 [hbm4b:s4+s5], $0x20, s3, s5, $0xb8;
	[tilespmem:$0x6900] =	vst v63  }
0x45: {  	s3 =	sadd.s32 $0xFFFC0000, s1  }
0x46: {  	s7 =	sand.u32 $0x40, s0;
	s3 =	sand.u32 $0x3F80000, s3  }
0x47: {  	s3 =	sor.u32 s3, s7  }
0x48: {  	_ =	swait.ge [sflag:s23], $0x1000;
	s3 =	sor.u32 s6, s3  }
0x49: {  	[sflag:s23] =	ssyncset.done $0x0;
	s3 =	sshrl.u32 s3, $0x4  }
0x4a: {  	[sflag:s23] =	ssyncadd.s32 $0xFFFFF000;
	s3 =	sadd.s32 s2, s3  }
0x4b: {  	[hbm4b:s3+s16] =	stream.strided.scatter [tilespmem:s18], [sflag:$0x9], $0x1000, s17, s16, $0x38;
	[tilespmem:$0x6900] =	vst v63  }
0x4c: {  	_ =	swait.ge [sflag:s24], $0x1000  }
0x4d: {  	[sflag:s24] =	ssyncset.done $0x0  }
0x4e: {  	s7 =	simm.s32 @!p0 $0x2900;
	s3 =	sadd.s32 @!p0 $0xFFFFFF80, s31;
	[sflag:s24] =	ssyncadd.s32 $0xFFFFF000  }
0x4f: {  	[tilespmem:s7], [sflag:$0x2] =	stream.indirect.gather @!p0 [hbm4b:s4+s5], $0x20, s3, s5, $0xb8;
	[tilespmem:$0x6900] =	vst v63  }
0x50: {  	s7 =	sand.u32 $0x3F80000, s1  }
0x51: {  	s3 =	sor.u32 s7, s6  }
0x52: {  	_ =	swait.ge [sflag:s25], $0x1000;
	s3 =	sor.u32 s13, s3  }
0x53: {  	[sflag:s25] =	ssyncset.done $0x0;
	s3 =	sshrl.u32 s3, $0x4  }
.Ltmp2:
0x54: {  	[sflag:s25] =	ssyncadd.s32 $0xFFFFF000;
	s3 =	sadd.s32 s2, s3;
	(pc) =	sbr.rel @p0 .LBB2_4-.Ltmp2, $4  }
0x55: {  	[hbm4b:s3+s16] =	stream.strided.scatter [tilespmem:s20], [sflag:$0xA], $0x1000, s17, s16, $0x38;
	[tilespmem:$0x6900] =	vst v63  }
0x56: {  	_ =	swait.ge [sflag:s26], $0x1000  }
0x57: {  	[sflag:s26] =	ssyncset.done $0x0  }
0x58: {  	[sflag:s26] =	ssyncadd.s32 $0xFFFFF000  }
.Ltmp3:
0x59: {  	(pc) =	sbr.rel .LBB2_2-.Ltmp3, $4  }
0x5a: {  	_ = 	snop  }
0x5b: {  	[tilespmem:s14], [sflag:$0x3] =	stream.indirect.gather [hbm4b:s4+s8], $0x20, s31, s8, $0xb8;
	[tilespmem:$0x6900] =	vst v63  }
0x5c: {  	s31 =	sadd.s32 $0x280, s31  }
0x5d: {  	s1 =	sadd.s32 $0x140000, s1;
	s0 =	sadd.s32 $0x140, s0;
	s9 =	sadd.s32 $0x40, s9  }
.LBB2_5:
0x5e: {  	_ =	sfence.sel $0x180000  }
0x5f: {  	[bflag:$0x0] =	sbarrier.arrive $0xFFFF  }
0x60: {  	_ =	strace $0x90000047  }
0x61: {  	s0 =	stileid.u32;
	[bflag:$0x2] =	sbarrier.arrive $0xFFFF  }
0x62: {  	p0 =	sne.s32 s0, $0x0;
	s0 =	rddreg [dreg:$0x2]  }
0x63: {  	s0 =	sadd.s32 @!p0 $0x100000, s0  }
0x64: {  	[sflag:s0] =	ssyncadd.tile.s32 @!p0 $0x1;
	_ =	shalt  }
.Lfunc_end2:
_tile_overlayer_lowered:
.L_overlay_start_2:
0x65: {  	(tag) =	ssettag $0x2  }
0x66: {  	s0 =	rddreg [dreg:$0x0];
	s2 =	stileid.u32  }
0x67: {  	s1 =	rddreg [dreg:$0x1];
	p0 =	sne.s32 s2, $0x0  }
0x68: {  	s3 =	rddreg [dreg:$0x2];
	[bflag:$0x3] =	sbarrier.arrive $0xFFFF;
	s2 =	simm.s32 @!p0 $0x1C0B  }
0x69: {  	[timem:s3], [sflag:s2] =	dma.local @!p0 [hbm:s0], s1  }
0x6a: {  	s0 =	simm.s32 @!p0 $0xB  }
0x6b: {  	_ =	swait.ge @!p0 [sflag:s0], s1  }
0x6c: {  	s1 =	ssub.s32 @!p0 $0x0, s1;
	[sflag:s0] =	ssyncset.done @!p0 $0x0  }
0x6d: {  	[sflag:s0] =	ssyncadd.s32 @!p0 s1  }
0x6e: {  	[bflag:$0x3] =	sbarrier.arrive $0xFFFF  }
0x6f: {  	_ =	shalt  }

</sc_bundles>
